<compile_context>
chip_gen: v7x
topology: tpu7x:2x2x1
jax: 0.10.2.dev20260603
libtpu: 0.0.44.dev20260713+nightly
codegen_flags: <defaults>
</compile_context>

<pallas_src>
import functools

import jax
import jax.numpy as jnp
from jax import lax
from jax.experimental import pallas as pl
from jax.experimental.pallas import tpu as pltpu
from jax.experimental.pallas import tpu_sc as plsc

_NC = 2
_NS = 16
_NW = _NC * _NS
_POS_CHUNK = 1024


def _sc_body(table_hbm, idx_hbm, out_hbm, my_rows, idx_v, sem_out,
             *, n, vocab):
    wid = lax.axis_index("s") * _NC + lax.axis_index("c")
    parity = wid % 2
    rpt = vocab // (_NW // 2)
    lo = (wid // 2) * rpt

    pltpu.sync_copy(table_hbm.at[pl.ds(lo, rpt)], my_rows)

    pltpu.sync_copy(idx_hbm, idx_v)

    def scan_vec(v, cnt_in):
        off = pl.multiple_of(v * 16, 16)
        lvec = idx_v[pl.ds(off, 16)] - lo
        hit = jnp.logical_and(lvec >= 0, lvec < rpt)
        hit_i = hit.astype(jnp.int32)
        nhit = jnp.sum(hit_i, axis=0)
        ordinal = cnt_in + plsc.cumsum(hit_i) - hit_i
        take = jnp.logical_and(hit, ordinal % 2 == parity)
        take_i = take.astype(jnp.int32)
        quarter = lax.iota(jnp.int32, 16) // 4
        nq = [jnp.sum(take_i * (quarter == q).astype(jnp.int32), axis=0)
              for q in range(4)]
        masked_l = jnp.where(take, lvec, -1)

        @pl.when(jnp.sum(take_i, axis=0) > 0)
        def _lanes():
            for q in range(4):
                @pl.when(nq[q] > 0)
                def _quarter(q=q):
                    for lane in range(q * 4, q * 4 + 4):
                        l = masked_l[lane]

                        @pl.when(l >= 0)
                        def _push(l=l, lane=lane):
                            pltpu.async_copy(
                                my_rows.at[l], out_hbm.at[v * 16 + lane],
                                sem_out)

        return cnt_in + nhit

    total = pl.loop(0, n // 16, init_carry=jnp.int32(0))(scan_vec)
    total = (total + (1 - parity)) // 2

    def drain(_i, carry):
        pltpu.make_async_copy(my_rows.at[0], out_hbm.at[0], sem_out).wait()
        return carry

    pl.loop(0, total, init_carry=jnp.int32(0))(drain)


def kernel(prefix, table):
    bsz, seq = prefix.shape
    n = bsz * seq
    vocab, width = table.shape

    idx = prefix.reshape(n).astype(jnp.int32)
    mesh = plsc.VectorSubcoreMesh(core_axis_name="c", subcore_axis_name="s")
    body = functools.partial(_sc_body, n=n, vocab=vocab)
    k = pl.kernel(
        body,
        out_type=jax.ShapeDtypeStruct((n, width), table.dtype),
        mesh=mesh,
        compiler_params=pltpu.CompilerParams(needs_layout_passes=False),
        scratch_types=[
            pltpu.VMEM((vocab // (_NW // 2), width), table.dtype),
            pltpu.VMEM((n,), jnp.int32),
            pltpu.SemaphoreType.DMA,
        ],
    )
    out = k(table, idx)
    return out.reshape(bsz, seq, width)

# --- scband reference (transcript-rebuilt; emitter-appended) ---
"""Pipeline reference for scband-prefix-encoder-68092411511208 (READ-ONLY COPY).

The authoritative reference and input builder live on the scoring server;
editing this copy changes nothing except your own understanding.
"""

import jax, jax.numpy as jnp
import numpy as np

PRE_SEQ_LEN = 128
NUM_LAYERS = 28
KV_CHANNELS = 128
MULTI_QUERY_GROUP_NUM = 2
KV_SIZE = NUM_LAYERS * KV_CHANNELS * MULTI_QUERY_GROUP_NUM * 2  # 14336
BATCH = 32


def setup_inputs(seed: int = 0) -> dict:
    key = jax.random.key(seed)
    k1, k2 = jax.random.split(key)
    prefix = jax.random.randint(k1, (BATCH, PRE_SEQ_LEN), 0, PRE_SEQ_LEN, dtype=jnp.int64 if jax.config.jax_enable_x64 else jnp.int32)
    table = jax.random.normal(k2, (PRE_SEQ_LEN, KV_SIZE), dtype=jnp.float32) * 0.02
    return {"prefix": prefix, "table": table}


def reference(prefix, table):
    # prefix_projection=False branch: past_key_values = self.embedding(prefix)
    past_key_values = jnp.take(table, prefix, axis=0)  # [B, prefix_len, 2*layers*kv_channels*groups]
    return past_key_values

if __name__ == "__main__":
    import jax
    _d = setup_inputs()
    print(jax.jit(kernel)(*tuple(_d.values())))

</pallas_src>

<mosaic_0001>
#map = affine_map<(d0, d1) -> (0, 0)>
#map1 = affine_map<(d0, d1) -> (0)>
module attributes {stable_mosaic.version = 14 : i64} {
  func.func @_sc_body(%arg0: i32, %arg1: i32, %arg2: memref<128x14336xf32, #tpu.memory_space<hbm>>, %arg3: memref<4096xi32, #tpu.memory_space<hbm>>, %arg4: memref<4096x14336xf32, #tpu.memory_space<hbm>>, %arg5: memref<8x14336xf32, #tpu.memory_space<vmem>>, %arg6: memref<4096xi32, #tpu.memory_space<vmem>>, %arg7: memref<!tpu.dma_semaphore, #tpu.memory_space<semaphore_mem>>) attributes {dimension_semantics = [#tpu.dimension_semantics<core_parallel>, #tpu.dimension_semantics<subcore_parallel>], iteration_bounds = array<i64: 2, 16>, scalar_prefetch = 0 : i64, scratch_operands = 3 : i64, tpu.core_type = #tpu.core_type<sc_vector_subcore>, window_params = [{transform_indices = #map}, {transform_indices = #map1}, {transform_indices = #map}]} {
    %mul3A = arith.constant 2 : i32
    %mul3A_0 = arith.muli %arg1, %mul3A : i32
    %add3A = arith.addi %mul3A_0, %arg0 : i32
    %jit3A = arith.constant 2 : i32
    %eq3A = arith.constant 0 : i32
    %eq3A_1 = arith.cmpi eq, %jit3A, %eq3A : i32
    %jit3A_2 = arith.constant 1 : i32
    %select_n3A = arith.select %eq3A_1, %jit3A_2, %jit3A : i32
    %rem3A = arith.remsi %add3A, %select_n3A : i32
    %ne3A = arith.constant 0 : i32
    %ne3A_3 = arith.cmpi ne, %rem3A, %ne3A : i32
    %lt3A = arith.constant 0 : i32
    %lt3A_4 = arith.cmpi slt, %rem3A, %lt3A : i32
    %lt3A_5 = arith.constant 0 : i32
    %lt3A_6 = arith.cmpi slt, %select_n3A, %lt3A_5 : i32
    %ne3A_7 = arith.xori %lt3A_4, %lt3A_6 : i1
    %and3A = arith.andi %ne3A_7, %ne3A_3 : i1
    %add3A_8 = arith.addi %rem3A, %select_n3A : i32
    %select_n3A_9 = arith.select %and3A, %add3A_8, %rem3A : i32
    %jit3A_10 = arith.constant 2 : i32
    %div3A = arith.divsi %add3A, %jit3A_10 : i32
    %sign3A = arith.constant 0 : i32
    %sign3A_11 = arith.cmpi sgt, %add3A, %sign3A : i32
    %sign3A_12 = arith.extui %sign3A_11 : i1 to i32
    %sign3A_13 = arith.constant 0 : i32
    %sign3A_14 = arith.cmpi slt, %add3A, %sign3A_13 : i32
    %sign3A_15 = arith.extui %sign3A_14 : i1 to i32
    %sign3A_16 = arith.subi %sign3A_12, %sign3A_15 : i32
    %sign3A_17 = arith.constant 0 : i32
    %sign3A_18 = arith.cmpi sgt, %jit3A_10, %sign3A_17 : i32
    %sign3A_19 = arith.extui %sign3A_18 : i1 to i32
    %sign3A_20 = arith.constant 0 : i32
    %sign3A_21 = arith.cmpi slt, %jit3A_10, %sign3A_20 : i32
    %sign3A_22 = arith.extui %sign3A_21 : i1 to i32
    %sign3A_23 = arith.subi %sign3A_19, %sign3A_22 : i32
    %ne3A_24 = arith.cmpi ne, %sign3A_16, %sign3A_23 : i32
    %rem3A_25 = arith.remsi %add3A, %jit3A_10 : i32
    %ne3A_26 = arith.constant 0 : i32
    %ne3A_27 = arith.cmpi ne, %rem3A_25, %ne3A_26 : i32
    %and3A_28 = arith.andi %ne3A_24, %ne3A_27 : i1
    %sub3A = arith.constant 1 : i32
    %sub3A_29 = arith.subi %div3A, %sub3A : i32
    %select_n3A_30 = arith.select %and3A_28, %sub3A_29, %div3A : i32
    %mul3A_31 = arith.constant 8 : i32
    %mul3A_32 = arith.muli %select_n3A_30, %mul3A_31 : i32
    "tpu.region"() ({
      %run_scoped3A = tpu.sem_alloc : memref<!tpu.dma_semaphore, #tpu.memory_space<semaphore_mem>>
      %dma_start3A = arith.constant 0 : i32
      %dma_start3A_85 = tpu.memref_slice %arg2[%mul3A_32, %dma_start3A] : memref<128x14336xf32, #tpu.memory_space<hbm>> -> memref<8x14336xf32, #tpu.memory_space<hbm>>
      %dma_start3A_86 = arith.constant 0 : i32
      %dma_start3A_87 = tpu.memref_slice %arg2[%mul3A_32, %dma_start3A_86] : memref<128x14336xf32, #tpu.memory_space<hbm>> -> memref<8x14336xf32, #tpu.memory_space<hbm>>
      tpu.enqueue_dma source(%dma_start3A_87 : memref<8x14336xf32, #tpu.memory_space<hbm>>) target(%arg5 : memref<8x14336xf32, #tpu.memory_space<vmem>>) target_semaphore(%run_scoped3A : memref<!tpu.dma_semaphore, #tpu.memory_space<semaphore_mem>>)
      %dma_wait3A = arith.constant 0 : i32
      %dma_wait3A_88 = tpu.memref_slice %arg2[%mul3A_32, %dma_wait3A] : memref<128x14336xf32, #tpu.memory_space<hbm>> -> memref<8x14336xf32, #tpu.memory_space<hbm>>
      %dma_wait3A_89 = arith.constant 0 : i32
      %dma_wait3A_90 = tpu.memref_slice %arg2[%mul3A_32, %dma_wait3A_89] : memref<128x14336xf32, #tpu.memory_space<hbm>> -> memref<8x14336xf32, #tpu.memory_space<hbm>>
      tpu.wait_dma2 semaphore(%run_scoped3A : memref<!tpu.dma_semaphore, #tpu.memory_space<semaphore_mem>>) src(%dma_wait3A_90 : memref<8x14336xf32, #tpu.memory_space<hbm>>) dst(%arg5 : memref<8x14336xf32, #tpu.memory_space<vmem>>)
      tpu.yield
    }) : () -> ()
    "tpu.region"() ({
      %run_scoped3A = tpu.sem_alloc : memref<!tpu.dma_semaphore, #tpu.memory_space<semaphore_mem>>
      tpu.enqueue_dma source(%arg3 : memref<4096xi32, #tpu.memory_space<hbm>>) target(%arg6 : memref<4096xi32, #tpu.memory_space<vmem>>) target_semaphore(%run_scoped3A : memref<!tpu.dma_semaphore, #tpu.memory_space<semaphore_mem>>)
      tpu.wait_dma2 semaphore(%run_scoped3A : memref<!tpu.dma_semaphore, #tpu.memory_space<semaphore_mem>>) src(%arg3 : memref<4096xi32, #tpu.memory_space<hbm>>) dst(%arg6 : memref<4096xi32, #tpu.memory_space<vmem>>)
      tpu.yield
    }) : () -> ()
    %scan3A = arith.constant 0 : i32
    %scan3A_33 = arith.constant 0 : i32
    %scan3A_34 = arith.constant 256 : i32
    %scan3A_35 = arith.addi %scan3A_33, %scan3A_34 : i32
    %scan3A_36 = arith.constant 1 : i32
    %scan3A_37 = scf.for %scan3A_85 = %scan3A_33 to %scan3A_35 step %scan3A_36 iter_args(%scan3A_86 = %scan3A) -> (i32)  : i32 {
      %mul3A_87 = arith.constant 1 : i32
      %mul3A_88 = arith.muli %scan3A_85, %mul3A_87 : i32
      %add3A_89 = arith.constant 0 : i32
      %add3A_90 = arith.addi %add3A_89, %mul3A_88 : i32
      %mul3A_91 = arith.constant 16 : i32
      %mul3A_92 = arith.muli %add3A_90, %mul3A_91 : i32
      %multiple_of3A = tpu.assume_multiple %mul3A_92, 16 : i32
      %get3A = arith.index_cast %multiple_of3A : i32 to index
      %get3A_93 = tpu.vector_load %arg6[%get3A] {strides = array<i32>} : memref<4096xi32, #tpu.memory_space<vmem>>, vector<16xi32>,
      %sub3A_94 = vector.broadcast %mul3A_32 : i32 to vector<16xi32>
      %sub3A_95 = arith.subi %get3A_93, %sub3A_94 : vector<16xi32>
      %ge3A = arith.constant 0 : i32
      %ge3A_96 = vector.broadcast %ge3A : i32 to vector<16xi32>
      %ge3A_97 = arith.cmpi sge, %sub3A_95, %ge3A_96 : vector<16xi32>
      %lt3A_98 = arith.constant 8 : i32
      %lt3A_99 = vector.broadcast %lt3A_98 : i32 to vector<16xi32>
      %lt3A_100 = arith.cmpi slt, %sub3A_95, %lt3A_99 : vector<16xi32>
      %and3A_101 = arith.andi %ge3A_97, %lt3A_100 : vector<16xi1>
      %convert_element_type3A = arith.extui %and3A_101 : vector<16xi1> to vector<16xi32>
      %reduce_sum3A = arith.constant true
      %reduce_sum3A_102 = vector.broadcast %reduce_sum3A : i1 to vector<16xi1>
      %reduce_sum3A_103 = tpu.scan <sum>, %convert_element_type3A masked %reduce_sum3A_102 : vector<16xi32>, vector<16xi1> -> vector<16xi32>
      %reduce_sum3A_104 = vector.extract %reduce_sum3A_103[15] : i32 from vector<16xi32>
      %broadcast_in_dim3A = arith.constant true
      %broadcast_in_dim3A_105 = vector.broadcast %broadcast_in_dim3A : i1 to vector<16xi1>
      %masked_cumsum3A = tpu.scan <sum>, %convert_element_type3A masked %broadcast_in_dim3A_105 : vector<16xi32>, vector<16xi1> -> vector<16xi32>
      %add3A_106 = vector.broadcast %scan3A_86 : i32 to vector<16xi32>
      %add3A_107 = arith.addi %add3A_106, %masked_cumsum3A : vector<16xi32>
      %sub3A_108 = arith.subi %add3A_107, %convert_element_type3A : vector<16xi32>
      %jit3A_109 = arith.constant 2 : i32
      %eq3A_110 = arith.constant 0 : i32
      %eq3A_111 = arith.cmpi eq, %jit3A_109, %eq3A_110 : i32
      %jit3A_112 = arith.constant 1 : i32
      %select_n3A_113 = arith.select %eq3A_111, %jit3A_112, %jit3A_109 : i32
      %rem3A_114 = vector.broadcast %select_n3A_113 : i32 to vector<16xi32>
      %rem3A_115 = arith.remsi %sub3A_108, %rem3A_114 : vector<16xi32>
      %ne3A_116 = arith.constant 0 : i32
      %ne3A_117 = vector.broadcast %ne3A_116 : i32 to vector<16xi32>
      %ne3A_118 = arith.cmpi ne, %rem3A_115, %ne3A_117 : vector<16xi32>
      %lt3A_119 = arith.constant 0 : i32
      %lt3A_120 = vector.broadcast %lt3A_119 : i32 to vector<16xi32>
      %lt3A_121 = arith.cmpi slt, %rem3A_115, %lt3A_120 : vector<16xi32>
      %lt3A_122 = arith.constant 0 : i32
      %lt3A_123 = arith.cmpi slt, %select_n3A_113, %lt3A_122 : i32
      %ne3A_124 = vector.broadcast %lt3A_123 : i1 to vector<16xi1>
      %ne3A_125 = vector.broadcast %ne3A_124 : vector<16xi1> to vector<16xi1>
      %ne3A_126 = arith.xori %lt3A_121, %ne3A_125 : vector<16xi1>
      %and3A_127 = arith.andi %ne3A_126, %ne3A_118 : vector<16xi1>
      %add3A_128 = vector.broadcast %select_n3A_113 : i32 to vector<16xi32>
      %add3A_129 = arith.addi %rem3A_115, %add3A_128 : vector<16xi32>
      %select_n3A_130 = arith.select %and3A_127, %add3A_129, %rem3A_115 : vector<16xi1>, vector<16xi32>
      %eq3A_131 = vector.broadcast %select_n3A_9 : i32 to vector<16xi32>
      %eq3A_132 = arith.cmpi eq, %select_n3A_130, %eq3A_131 : vector<16xi32>
      %and3A_133 = arith.andi %and3A_101, %eq3A_132 : vector<16xi1>
      %convert_element_type3A_134 = arith.extui %and3A_133 : vector<16xi1> to vector<16xi32>
      %iota3A = tpu.iota {dimensions = array<i32: 0>} : vector<16xi32>
      %jit3A_135 = arith.constant 4 : i32
      %div3A_136 = vector.broadcast %jit3A_135 : i32 to vector<16xi32>
      %div3A_137 = arith.divsi %iota3A, %div3A_136 : vector<16xi32>
      %sign3A_138 = arith.constant 0 : i32
      %sign3A_139 = vector.broadcast %sign3A_138 : i32 to vector<16xi32>
      %sign3A_140 = arith.cmpi sgt, %iota3A, %sign3A_139 : vector<16xi32>
      %sign3A_141 = arith.extui %sign3A_140 : vector<16xi1> to vector<16xi32>
      %sign3A_142 = arith.constant 0 : i32
      %sign3A_143 = vector.broadcast %sign3A_142 : i32 to vector<16xi32>
      %sign3A_144 = arith.cmpi slt, %iota3A, %sign3A_143 : vector<16xi32>
      %sign3A_145 = arith.extui %sign3A_144 : vector<16xi1> to vector<16xi32>
      %sign3A_146 = arith.subi %sign3A_141, %sign3A_145 : vector<16xi32>
      %sign3A_147 = arith.constant 0 : i32
      %sign3A_148 = arith.cmpi sgt, %jit3A_135, %sign3A_147 : i32
      %sign3A_149 = arith.extui %sign3A_148 : i1 to i32
      %sign3A_150 = arith.constant 0 : i32
      %sign3A_151 = arith.cmpi slt, %jit3A_135, %sign3A_150 : i32
      %sign3A_152 = arith.extui %sign3A_151 : i1 to i32
      %sign3A_153 = arith.subi %sign3A_149, %sign3A_152 : i32
      %ne3A_154 = vector.broadcast %sign3A_153 : i32 to vector<16xi32>
      %ne3A_155 = arith.cmpi ne, %sign3A_146, %ne3A_154 : vector<16xi32>
      %rem3A_156 = vector.broadcast %jit3A_135 : i32 to vector<16xi32>
      %rem3A_157 = arith.remsi %iota3A, %rem3A_156 : vector<16xi32>
      %ne3A_158 = arith.constant 0 : i32
      %ne3A_159 = vector.broadcast %ne3A_158 : i32 to vector<16xi32>
      %ne3A_160 = arith.cmpi ne, %rem3A_157, %ne3A_159 : vector<16xi32>
      %and3A_161 = arith.andi %ne3A_155, %ne3A_160 : vector<16xi1>
      %sub3A_162 = arith.constant 1 : i32
      %sub3A_163 = vector.broadcast %sub3A_162 : i32 to vector<16xi32>
      %sub3A_164 = arith.subi %div3A_137, %sub3A_163 : vector<16xi32>
      %select_n3A_165 = arith.select %and3A_161, %sub3A_164, %div3A_137 : vector<16xi1>, vector<16xi32>
      %eq3A_166 = arith.constant 0 : i32
      %eq3A_167 = vector.broadcast %eq3A_166 : i32 to vector<16xi32>
      %eq3A_168 = arith.cmpi eq, %select_n3A_165, %eq3A_167 : vector<16xi32>
      %convert_element_type3A_169 = arith.extui %eq3A_168 : vector<16xi1> to vector<16xi32>
      %mul3A_170 = arith.muli %convert_element_type3A_134, %convert_element_type3A_169 : vector<16xi32>
      %reduce_sum3A_171 = arith.constant true
      %reduce_sum3A_172 = vector.broadcast %reduce_sum3A_171 : i1 to vector<16xi1>
      %reduce_sum3A_173 = tpu.scan <sum>, %mul3A_170 masked %reduce_sum3A_172 : vector<16xi32>, vector<16xi1> -> vector<16xi32>
      %reduce_sum3A_174 = vector.extract %reduce_sum3A_173[15] : i32 from vector<16xi32>
      %eq3A_175 = arith.constant 1 : i32
      %eq3A_176 = vector.broadcast %eq3A_175 : i32 to vector<16xi32>
      %eq3A_177 = arith.cmpi eq, %select_n3A_165, %eq3A_176 : vector<16xi32>
      %convert_element_type3A_178 = arith.extui %eq3A_177 : vector<16xi1> to vector<16xi32>
      %mul3A_179 = arith.muli %convert_element_type3A_134, %convert_element_type3A_178 : vector<16xi32>
      %reduce_sum3A_180 = arith.constant true
      %reduce_sum3A_181 = vector.broadcast %reduce_sum3A_180 : i1 to vector<16xi1>
      %reduce_sum3A_182 = tpu.scan <sum>, %mul3A_179 masked %reduce_sum3A_181 : vector<16xi32>, vector<16xi1> -> vector<16xi32>
      %reduce_sum3A_183 = vector.extract %reduce_sum3A_182[15] : i32 from vector<16xi32>
      %eq3A_184 = arith.constant 2 : i32
      %eq3A_185 = vector.broadcast %eq3A_184 : i32 to vector<16xi32>
      %eq3A_186 = arith.cmpi eq, %select_n3A_165, %eq3A_185 : vector<16xi32>
      %convert_element_type3A_187 = arith.extui %eq3A_186 : vector<16xi1> to vector<16xi32>
      %mul3A_188 = arith.muli %convert_element_type3A_134, %convert_element_type3A_187 : vector<16xi32>
      %reduce_sum3A_189 = arith.constant true
      %reduce_sum3A_190 = vector.broadcast %reduce_sum3A_189 : i1 to vector<16xi1>
      %reduce_sum3A_191 = tpu.scan <sum>, %mul3A_188 masked %reduce_sum3A_190 : vector<16xi32>, vector<16xi1> -> vector<16xi32>
      %reduce_sum3A_192 = vector.extract %reduce_sum3A_191[15] : i32 from vector<16xi32>
      %eq3A_193 = arith.constant 3 : i32
      %eq3A_194 = vector.broadcast %eq3A_193 : i32 to vector<16xi32>
      %eq3A_195 = arith.cmpi eq, %select_n3A_165, %eq3A_194 : vector<16xi32>
      %convert_element_type3A_196 = arith.extui %eq3A_195 : vector<16xi1> to vector<16xi32>
      %mul3A_197 = arith.muli %convert_element_type3A_134, %convert_element_type3A_196 : vector<16xi32>
      %reduce_sum3A_198 = arith.constant true
      %reduce_sum3A_199 = vector.broadcast %reduce_sum3A_198 : i1 to vector<16xi1>
      %reduce_sum3A_200 = tpu.scan <sum>, %mul3A_197 masked %reduce_sum3A_199 : vector<16xi32>, vector<16xi1> -> vector<16xi32>
      %reduce_sum3A_201 = vector.extract %reduce_sum3A_200[15] : i32 from vector<16xi32>
      %jit3A_202 = arith.constant -1 : i32
      %broadcast_in_dim3A_203 = vector.broadcast %jit3A_202 : i32 to vector<16xi32>
      %select_n3A_204 = arith.select %and3A_133, %sub3A_95, %broadcast_in_dim3A_203 : vector<16xi1>, vector<16xi32>
      %reduce_sum3A_205 = arith.constant true
      %reduce_sum3A_206 = vector.broadcast %reduce_sum3A_205 : i1 to vector<16xi1>
      %reduce_sum3A_207 = tpu.scan <sum>, %convert_element_type3A_134 masked %reduce_sum3A_206 : vector<16xi32>, vector<16xi1> -> vector<16xi32>
      %reduce_sum3A_208 = vector.extract %reduce_sum3A_207[15] : i32 from vector<16xi32>
      %gt3A = arith.constant 0 : i32
      %gt3A_209 = arith.cmpi sgt, %reduce_sum3A_208, %gt3A : i32
      %convert_element_type3A_210 = arith.extui %gt3A_209 : i1 to i32
      %cond3A = arith.constant 0 : i32
      %cond3A_211 = arith.cmpi ne, %convert_element_type3A_210, %cond3A : i32
      scf.if %cond3A_211 {
        %gt3A_213 = arith.constant 0 : i32
        %gt3A_214 = arith.cmpi sgt, %reduce_sum3A_174, %gt3A_213 : i32
        %convert_element_type3A_215 = arith.extui %gt3A_214 : i1 to i32
        %cond3A_216 = arith.constant 0 : i32
        %cond3A_217 = arith.cmpi ne, %convert_element_type3A_215, %cond3A_216 : i32
        scf.if %cond3A_217 {
          %slice3A = vector.extract_strided_slice %select_n3A_204 {offsets = [0], sizes = [1], strides = [1]} : vector<16xi32> to vector<1xi32>
          %squeeze3A = vector.extract %slice3A[0] : i32 from vector<1xi32>
          %ge3A_233 = arith.constant 0 : i32
          %ge3A_234 = arith.cmpi sge, %squeeze3A, %ge3A_233 : i32
          %convert_element_type3A_235 = arith.extui %ge3A_234 : i1 to i32
          %cond3A_236 = arith.constant 0 : i32
          %cond3A_237 = arith.cmpi ne, %convert_element_type3A_235, %cond3A_236 : i32
          scf.if %cond3A_237 {
            %mul3A_259 = arith.constant 16 : i32
            %mul3A_260 = arith.muli %add3A_90, %mul3A_259 : i32
            %add3A_261 = arith.constant 0 : i32
            %add3A_262 = arith.addi %mul3A_260, %add3A_261 : i32
            %dma_start3A = arith.constant 0 : i32
            %dma_start3A_263 = tpu.memref_slice %arg5[%squeeze3A, %dma_start3A] : memref<8x14336xf32, #tpu.memory_space<vmem>> -> memref<1x14336xf32, #tpu.memory_space<vmem>>
            %dma_start3A_264 = tpu.memref_squeeze %dma_start3A_263 : memref<1x14336xf32, #tpu.memory_space<vmem>> -> memref<14336xf32, #tpu.memory_space<vmem>>
            %dma_start3A_265 = arith.constant 0 : i32
            %dma_start3A_266 = tpu.memref_slice %arg4[%add3A_262, %dma_start3A_265] : memref<4096x14336xf32, #tpu.memory_space<hbm>> -> memref<1x14336xf32, #tpu.memory_space<hbm>>
            %dma_start3A_267 = tpu.memref_squeeze %dma_start3A_266 : memref<1x14336xf32, #tpu.memory_space<hbm>> -> memref<14336xf32, #tpu.memory_space<hbm>>
            %dma_start3A_268 = arith.constant 0 : i32
            %dma_start3A_269 = tpu.memref_slice %arg4[%add3A_262, %dma_start3A_268] : memref<4096x14336xf32, #tpu.memory_space<hbm>> -> memref<1x14336xf32, #tpu.memory_space<hbm>>
            %dma_start3A_270 = tpu.memref_squeeze %dma_start3A_269 : memref<1x14336xf32, #tpu.memory_space<hbm>> -> memref<14336xf32, #tpu.memory_space<hbm>>
            %dma_start3A_271 = arith.constant 0 : i32
            %dma_start3A_272 = tpu.memref_slice %arg5[%squeeze3A, %dma_start3A_271] : memref<8x14336xf32, #tpu.memory_space<vmem>> -> memref<1x14336xf32, #tpu.memory_space<vmem>>
            %dma_start3A_273 = tpu.memref_squeeze %dma_start3A_272 : memref<1x14336xf32, #tpu.memory_space<vmem>> -> memref<14336xf32, #tpu.memory_space<vmem>>
            tpu.enqueue_dma source(%dma_start3A_273 : memref<14336xf32, #tpu.memory_space<vmem>>) target(%dma_start3A_270 : memref<14336xf32, #tpu.memory_space<hbm>>) target_semaphore(%arg7 : memref<!tpu.dma_semaphore, #tpu.memory_space<semaphore_mem>>)
          } else {
          }
          %slice3A_238 = vector.extract_strided_slice %select_n3A_204 {offsets = [1], sizes = [1], strides = [1]} : vector<16xi32> to vector<1xi32>
          %squeeze3A_239 = vector.extract %slice3A_238[0] : i32 from vector<1xi32>
          %ge3A_240 = arith.constant 0 : i32
          %ge3A_241 = arith.cmpi sge, %squeeze3A_239, %ge3A_240 : i32
          %convert_element_type3A_242 = arith.extui %ge3A_241 : i1 to i32
          %cond3A_243 = arith.constant 0 : i32
          %cond3A_244 = arith.cmpi ne, %convert_element_type3A_242, %cond3A_243 : i32
          scf.if %cond3A_244 {
            %mul3A_259 = arith.constant 16 : i32
            %mul3A_260 = arith.muli %add3A_90, %mul3A_259 : i32
            %add3A_261 = arith.constant 1 : i32
            %add3A_262 = arith.addi %mul3A_260, %add3A_261 : i32
            %dma_start3A = arith.constant 0 : i32
            %dma_start3A_263 = tpu.memref_slice %arg5[%squeeze3A_239, %dma_start3A] : memref<8x14336xf32, #tpu.memory_space<vmem>> -> memref<1x14336xf32, #tpu.memory_space<vmem>>
            %dma_start3A_264 = tpu.memref_squeeze %dma_start3A_263 : memref<1x14336xf32, #tpu.memory_space<vmem>> -> memref<14336xf32, #tpu.memory_space<vmem>>
            %dma_start3A_265 = arith.constant 0 : i32
            %dma_start3A_266 = tpu.memref_slice %arg4[%add3A_262, %dma_start3A_265] : memref<4096x14336xf32, #tpu.memory_space<hbm>> -> memref<1x14336xf32, #tpu.memory_space<hbm>>
            %dma_start3A_267 = tpu.memref_squeeze %dma_start3A_266 : memref<1x14336xf32, #tpu.memory_space<hbm>> -> memref<14336xf32, #tpu.memory_space<hbm>>
            %dma_start3A_268 = arith.constant 0 : i32
            %dma_start3A_269 = tpu.memref_slice %arg4[%add3A_262, %dma_start3A_268] : memref<4096x14336xf32, #tpu.memory_space<hbm>> -> memref<1x14336xf32, #tpu.memory_space<hbm>>
            %dma_start3A_270 = tpu.memref_squeeze %dma_start3A_269 : memref<1x14336xf32, #tpu.memory_space<hbm>> -> memref<14336xf32, #tpu.memory_space<hbm>>
            %dma_start3A_271 = arith.constant 0 : i32
            %dma_start3A_272 = tpu.memref_slice %arg5[%squeeze3A_239, %dma_start3A_271] : memref<8x14336xf32, #tpu.memory_space<vmem>> -> memref<1x14336xf32, #tpu.memory_space<vmem>>
            %dma_start3A_273 = tpu.memref_squeeze %dma_start3A_272 : memref<1x14336xf32, #tpu.memory_space<vmem>> -> memref<14336xf32, #tpu.memory_space<vmem>>
            tpu.enqueue_dma source(%dma_start3A_273 : memref<14336xf32, #tpu.memory_space<vmem>>) target(%dma_start3A_270 : memref<14336xf32, #tpu.memory_space<hbm>>) target_semaphore(%arg7 : memref<!tpu.dma_semaphore, #tpu.memory_space<semaphore_mem>>)
          } else {
          }
          %slice3A_245 = vector.extract_strided_slice %select_n3A_204 {offsets = [2], sizes = [1], strides = [1]} : vector<16xi32> to vector<1xi32>
          %squeeze3A_246 = vector.extract %slice3A_245[0] : i32 from vector<1xi32>
          %ge3A_247 = arith.constant 0 : i32
          %ge3A_248 = arith.cmpi sge, %squeeze3A_246, %ge3A_247 : i32
          %convert_element_type3A_249 = arith.extui %ge3A_248 : i1 to i32
          %cond3A_250 = arith.constant 0 : i32
          %cond3A_251 = arith.cmpi ne, %convert_element_type3A_249, %cond3A_250 : i32
          scf.if %cond3A_251 {
            %mul3A_259 = arith.constant 16 : i32
            %mul3A_260 = arith.muli %add3A_90, %mul3A_259 : i32
            %add3A_261 = arith.constant 2 : i32
            %add3A_262 = arith.addi %mul3A_260, %add3A_261 : i32
            %dma_start3A = arith.constant 0 : i32
            %dma_start3A_263 = tpu.memref_slice %arg5[%squeeze3A_246, %dma_start3A] : memref<8x14336xf32, #tpu.memory_space<vmem>> -> memref<1x14336xf32, #tpu.memory_space<vmem>>
            %dma_start3A_264 = tpu.memref_squeeze %dma_start3A_263 : memref<1x14336xf32, #tpu.memory_space<vmem>> -> memref<14336xf32, #tpu.memory_space<vmem>>
            %dma_start3A_265 = arith.constant 0 : i32
            %dma_start3A_266 = tpu.memref_slice %arg4[%add3A_262, %dma_start3A_265] : memref<4096x14336xf32, #tpu.memory_space<hbm>> -> memref<1x14336xf32, #tpu.memory_space<hbm>>
            %dma_start3A_267 = tpu.memref_squeeze %dma_start3A_266 : memref<1x14336xf32, #tpu.memory_space<hbm>> -> memref<14336xf32, #tpu.memory_space<hbm>>
            %dma_start3A_268 = arith.constant 0 : i32
            %dma_start3A_269 = tpu.memref_slice %arg4[%add3A_262, %dma_start3A_268] : memref<4096x14336xf32, #tpu.memory_space<hbm>> -> memref<1x14336xf32, #tpu.memory_space<hbm>>
            %dma_start3A_270 = tpu.memref_squeeze %dma_start3A_269 : memref<1x14336xf32, #tpu.memory_space<hbm>> -> memref<14336xf32, #tpu.memory_space<hbm>>
            %dma_start3A_271 = arith.constant 0 : i32
            %dma_start3A_272 = tpu.memref_slice %arg5[%squeeze3A_246, %dma_start3A_271] : memref<8x14336xf32, #tpu.memory_space<vmem>> -> memref<1x14336xf32, #tpu.memory_space<vmem>>
            %dma_start3A_273 = tpu.memref_squeeze %dma_start3A_272 : memref<1x14336xf32, #tpu.memory_space<vmem>> -> memref<14336xf32, #tpu.memory_space<vmem>>
            tpu.enqueue_dma source(%dma_start3A_273 : memref<14336xf32, #tpu.memory_space<vmem>>) target(%dma_start3A_270 : memref<14336xf32, #tpu.memory_space<hbm>>) target_semaphore(%arg7 : memref<!tpu.dma_semaphore, #tpu.memory_space<semaphore_mem>>)
          } else {
          }
          %slice3A_252 = vector.extract_strided_slice %select_n3A_204 {offsets = [3], sizes = [1], strides = [1]} : vector<16xi32> to vector<1xi32>
          %squeeze3A_253 = vector.extract %slice3A_252[0] : i32 from vector<1xi32>
          %ge3A_254 = arith.constant 0 : i32
          %ge3A_255 = arith.cmpi sge, %squeeze3A_253, %ge3A_254 : i32
          %convert_element_type3A_256 = arith.extui %ge3A_255 : i1 to i32
          %cond3A_257 = arith.constant 0 : i32
          %cond3A_258 = arith.cmpi ne, %convert_element_type3A_256, %cond3A_257 : i32
          scf.if %cond3A_258 {
            %mul3A_259 = arith.constant 16 : i32
            %mul3A_260 = arith.muli %add3A_90, %mul3A_259 : i32
            %add3A_261 = arith.constant 3 : i32
            %add3A_262 = arith.addi %mul3A_260, %add3A_261 : i32
            %dma_start3A = arith.constant 0 : i32
            %dma_start3A_263 = tpu.memref_slice %arg5[%squeeze3A_253, %dma_start3A] : memref<8x14336xf32, #tpu.memory_space<vmem>> -> memref<1x14336xf32, #tpu.memory_space<vmem>>
            %dma_start3A_264 = tpu.memref_squeeze %dma_start3A_263 : memref<1x14336xf32, #tpu.memory_space<vmem>> -> memref<14336xf32, #tpu.memory_space<vmem>>
            %dma_start3A_265 = arith.constant 0 : i32
            %dma_start3A_266 = tpu.memref_slice %arg4[%add3A_262, %dma_start3A_265] : memref<4096x14336xf32, #tpu.memory_space<hbm>> -> memref<1x14336xf32, #tpu.memory_space<hbm>>
            %dma_start3A_267 = tpu.memref_squeeze %dma_start3A_266 : memref<1x14336xf32, #tpu.memory_space<hbm>> -> memref<14336xf32, #tpu.memory_space<hbm>>
            %dma_start3A_268 = arith.constant 0 : i32
            %dma_start3A_269 = tpu.memref_slice %arg4[%add3A_262, %dma_start3A_268] : memref<4096x14336xf32, #tpu.memory_space<hbm>> -> memref<1x14336xf32, #tpu.memory_space<hbm>>
            %dma_start3A_270 = tpu.memref_squeeze %dma_start3A_269 : memref<1x14336xf32, #tpu.memory_space<hbm>> -> memref<14336xf32, #tpu.memory_space<hbm>>
            %dma_start3A_271 = arith.constant 0 : i32
            %dma_start3A_272 = tpu.memref_slice %arg5[%squeeze3A_253, %dma_start3A_271] : memref<8x14336xf32, #tpu.memory_space<vmem>> -> memref<1x14336xf32, #tpu.memory_space<vmem>>
            %dma_start3A_273 = tpu.memref_squeeze %dma_start3A_272 : memref<1x14336xf32, #tpu.memory_space<vmem>> -> memref<14336xf32, #tpu.memory_space<vmem>>
            tpu.enqueue_dma source(%dma_start3A_273 : memref<14336xf32, #tpu.memory_space<vmem>>) target(%dma_start3A_270 : memref<14336xf32, #tpu.memory_space<hbm>>) target_semaphore(%arg7 : memref<!tpu.dma_semaphore, #tpu.memory_space<semaphore_mem>>)
          } else {
          }
        } else {
        }
        %gt3A_218 = arith.constant 0 : i32
        %gt3A_219 = arith.cmpi sgt, %reduce_sum3A_183, %gt3A_218 : i32
        %convert_element_type3A_220 = arith.extui %gt3A_219 : i1 to i32
        %cond3A_221 = arith.constant 0 : i32
        %cond3A_222 = arith.cmpi ne, %convert_element_type3A_220, %cond3A_221 : i32
        scf.if %cond3A_222 {
          %slice3A = vector.extract_strided_slice %select_n3A_204 {offsets = [4], sizes = [1], strides = [1]} : vector<16xi32> to vector<1xi32>
          %squeeze3A = vector.extract %slice3A[0] : i32 from vector<1xi32>
          %ge3A_233 = arith.constant 0 : i32
          %ge3A_234 = arith.cmpi sge, %squeeze3A, %ge3A_233 : i32
          %convert_element_type3A_235 = arith.extui %ge3A_234 : i1 to i32
          %cond3A_236 = arith.constant 0 : i32
          %cond3A_237 = arith.cmpi ne, %convert_element_type3A_235, %cond3A_236 : i32
          scf.if %cond3A_237 {
            %mul3A_259 = arith.constant 16 : i32
            %mul3A_260 = arith.muli %add3A_90, %mul3A_259 : i32
            %add3A_261 = arith.constant 4 : i32
            %add3A_262 = arith.addi %mul3A_260, %add3A_261 : i32
            %dma_start3A = arith.constant 0 : i32
            %dma_start3A_263 = tpu.memref_slice %arg5[%squeeze3A, %dma_start3A] : memref<8x14336xf32, #tpu.memory_space<vmem>> -> memref<1x14336xf32, #tpu.memory_space<vmem>>
            %dma_start3A_264 = tpu.memref_squeeze %dma_start3A_263 : memref<1x14336xf32, #tpu.memory_space<vmem>> -> memref<14336xf32, #tpu.memory_space<vmem>>
            %dma_start3A_265 = arith.constant 0 : i32
            %dma_start3A_266 = tpu.memref_slice %arg4[%add3A_262, %dma_start3A_265] : memref<4096x14336xf32, #tpu.memory_space<hbm>> -> memref<1x14336xf32, #tpu.memory_space<hbm>>
            %dma_start3A_267 = tpu.memref_squeeze %dma_start3A_266 : memref<1x14336xf32, #tpu.memory_space<hbm>> -> memref<14336xf32, #tpu.memory_space<hbm>>
            %dma_start3A_268 = arith.constant 0 : i32
            %dma_start3A_269 = tpu.memref_slice %arg4[%add3A_262, %dma_start3A_268] : memref<4096x14336xf32, #tpu.memory_space<hbm>> -> memref<1x14336xf32, #tpu.memory_space<hbm>>
            %dma_start3A_270 = tpu.memref_squeeze %dma_start3A_269 : memref<1x14336xf32, #tpu.memory_space<hbm>> -> memref<14336xf32, #tpu.memory_space<hbm>>
            %dma_start3A_271 = arith.constant 0 : i32
            %dma_start3A_272 = tpu.memref_slice %arg5[%squeeze3A, %dma_start3A_271] : memref<8x14336xf32, #tpu.memory_space<vmem>> -> memref<1x14336xf32, #tpu.memory_space<vmem>>
            %dma_start3A_273 = tpu.memref_squeeze %dma_start3A_272 : memref<1x14336xf32, #tpu.memory_space<vmem>> -> memref<14336xf32, #tpu.memory_space<vmem>>
            tpu.enqueue_dma source(%dma_start3A_273 : memref<14336xf32, #tpu.memory_space<vmem>>) target(%dma_start3A_270 : memref<14336xf32, #tpu.memory_space<hbm>>) target_semaphore(%arg7 : memref<!tpu.dma_semaphore, #tpu.memory_space<semaphore_mem>>)
          } else {
          }
          %slice3A_238 = vector.extract_strided_slice %select_n3A_204 {offsets = [5], sizes = [1], strides = [1]} : vector<16xi32> to vector<1xi32>
          %squeeze3A_239 = vector.extract %slice3A_238[0] : i32 from vector<1xi32>
          %ge3A_240 = arith.constant 0 : i32
          %ge3A_241 = arith.cmpi sge, %squeeze3A_239, %ge3A_240 : i32
          %convert_element_type3A_242 = arith.extui %ge3A_241 : i1 to i32
          %cond3A_243 = arith.constant 0 : i32
          %cond3A_244 = arith.cmpi ne, %convert_element_type3A_242, %cond3A_243 : i32
          scf.if %cond3A_244 {
            %mul3A_259 = arith.constant 16 : i32
            %mul3A_260 = arith.muli %add3A_90, %mul3A_259 : i32
            %add3A_261 = arith.constant 5 : i32
            %add3A_262 = arith.addi %mul3A_260, %add3A_261 : i32
            %dma_start3A = arith.constant 0 : i32
            %dma_start3A_263 = tpu.memref_slice %arg5[%squeeze3A_239, %dma_start3A] : memref<8x14336xf32, #tpu.memory_space<vmem>> -> memref<1x14336xf32, #tpu.memory_space<vmem>>
            %dma_start3A_264 = tpu.memref_squeeze %dma_start3A_263 : memref<1x14336xf32, #tpu.memory_space<vmem>> -> memref<14336xf32, #tpu.memory_space<vmem>>
            %dma_start3A_265 = arith.constant 0 : i32
            %dma_start3A_266 = tpu.memref_slice %arg4[%add3A_262, %dma_start3A_265] : memref<4096x14336xf32, #tpu.memory_space<hbm>> -> memref<1x14336xf32, #tpu.memory_space<hbm>>
            %dma_start3A_267 = tpu.memref_squeeze %dma_start3A_266 : memref<1x14336xf32, #tpu.memory_space<hbm>> -> memref<14336xf32, #tpu.memory_space<hbm>>
            %dma_start3A_268 = arith.constant 0 : i32
            %dma_start3A_269 = tpu.memref_slice %arg4[%add3A_262, %dma_start3A_268] : memref<4096x14336xf32, #tpu.memory_space<hbm>> -> memref<1x14336xf32, #tpu.memory_space<hbm>>
            %dma_start3A_270 = tpu.memref_squeeze %dma_start3A_269 : memref<1x14336xf32, #tpu.memory_space<hbm>> -> memref<14336xf32, #tpu.memory_space<hbm>>
            %dma_start3A_271 = arith.constant 0 : i32
            %dma_start3A_272 = tpu.memref_slice %arg5[%squeeze3A_239, %dma_start3A_271] : memref<8x14336xf32, #tpu.memory_space<vmem>> -> memref<1x14336xf32, #tpu.memory_space<vmem>>
            %dma_start3A_273 = tpu.memref_squeeze %dma_start3A_272 : memref<1x14336xf32, #tpu.memory_space<vmem>> -> memref<14336xf32, #tpu.memory_space<vmem>>
            tpu.enqueue_dma source(%dma_start3A_273 : memref<14336xf32, #tpu.memory_space<vmem>>) target(%dma_start3A_270 : memref<14336xf32, #tpu.memory_space<hbm>>) target_semaphore(%arg7 : memref<!tpu.dma_semaphore, #tpu.memory_space<semaphore_mem>>)
          } else {
          }
          %slice3A_245 = vector.extract_strided_slice %select_n3A_204 {offsets = [6], sizes = [1], strides = [1]} : vector<16xi32> to vector<1xi32>
          %squeeze3A_246 = vector.extract %slice3A_245[0] : i32 from vector<1xi32>
          %ge3A_247 = arith.constant 0 : i32
          %ge3A_248 = arith.cmpi sge, %squeeze3A_246, %ge3A_247 : i32
          %convert_element_type3A_249 = arith.extui %ge3A_248 : i1 to i32
          %cond3A_250 = arith.constant 0 : i32
          %cond3A_251 = arith.cmpi ne, %convert_element_type3A_249, %cond3A_250 : i32
          scf.if %cond3A_251 {
            %mul3A_259 = arith.constant 16 : i32
            %mul3A_260 = arith.muli %add3A_90, %mul3A_259 : i32
            %add3A_261 = arith.constant 6 : i32
            %add3A_262 = arith.addi %mul3A_260, %add3A_261 : i32
            %dma_start3A = arith.constant 0 : i32
            %dma_start3A_263 = tpu.memref_slice %arg5[%squeeze3A_246, %dma_start3A] : memref<8x14336xf32, #tpu.memory_space<vmem>> -> memref<1x14336xf32, #tpu.memory_space<vmem>>
            %dma_start3A_264 = tpu.memref_squeeze %dma_start3A_263 : memref<1x14336xf32, #tpu.memory_space<vmem>> -> memref<14336xf32, #tpu.memory_space<vmem>>
            %dma_start3A_265 = arith.constant 0 : i32
            %dma_start3A_266 = tpu.memref_slice %arg4[%add3A_262, %dma_start3A_265] : memref<4096x14336xf32, #tpu.memory_space<hbm>> -> memref<1x14336xf32, #tpu.memory_space<hbm>>
            %dma_start3A_267 = tpu.memref_squeeze %dma_start3A_266 : memref<1x14336xf32, #tpu.memory_space<hbm>> -> memref<14336xf32, #tpu.memory_space<hbm>>
            %dma_start3A_268 = arith.constant 0 : i32
            %dma_start3A_269 = tpu.memref_slice %arg4[%add3A_262, %dma_start3A_268] : memref<4096x14336xf32, #tpu.memory_space<hbm>> -> memref<1x14336xf32, #tpu.memory_space<hbm>>
            %dma_start3A_270 = tpu.memref_squeeze %dma_start3A_269 : memref<1x14336xf32, #tpu.memory_space<hbm>> -> memref<14336xf32, #tpu.memory_space<hbm>>
            %dma_start3A_271 = arith.constant 0 : i32
            %dma_start3A_272 = tpu.memref_slice %arg5[%squeeze3A_246, %dma_start3A_271] : memref<8x14336xf32, #tpu.memory_space<vmem>> -> memref<1x14336xf32, #tpu.memory_space<vmem>>
            %dma_start3A_273 = tpu.memref_squeeze %dma_start3A_272 : memref<1x14336xf32, #tpu.memory_space<vmem>> -> memref<14336xf32, #tpu.memory_space<vmem>>
            tpu.enqueue_dma source(%dma_start3A_273 : memref<14336xf32, #tpu.memory_space<vmem>>) target(%dma_start3A_270 : memref<14336xf32, #tpu.memory_space<hbm>>) target_semaphore(%arg7 : memref<!tpu.dma_semaphore, #tpu.memory_space<semaphore_mem>>)
          } else {
          }
          %slice3A_252 = vector.extract_strided_slice %select_n3A_204 {offsets = [7], sizes = [1], strides = [1]} : vector<16xi32> to vector<1xi32>
          %squeeze3A_253 = vector.extract %slice3A_252[0] : i32 from vector<1xi32>
          %ge3A_254 = arith.constant 0 : i32
          %ge3A_255 = arith.cmpi sge, %squeeze3A_253, %ge3A_254 : i32
          %convert_element_type3A_256 = arith.extui %ge3A_255 : i1 to i32
          %cond3A_257 = arith.constant 0 : i32
          %cond3A_258 = arith.cmpi ne, %convert_element_type3A_256, %cond3A_257 : i32
          scf.if %cond3A_258 {
            %mul3A_259 = arith.constant 16 : i32
            %mul3A_260 = arith.muli %add3A_90, %mul3A_259 : i32
            %add3A_261 = arith.constant 7 : i32
            %add3A_262 = arith.addi %mul3A_260, %add3A_261 : i32
            %dma_start3A = arith.constant 0 : i32
            %dma_start3A_263 = tpu.memref_slice %arg5[%squeeze3A_253, %dma_start3A] : memref<8x14336xf32, #tpu.memory_space<vmem>> -> memref<1x14336xf32, #tpu.memory_space<vmem>>
            %dma_start3A_264 = tpu.memref_squeeze %dma_start3A_263 : memref<1x14336xf32, #tpu.memory_space<vmem>> -> memref<14336xf32, #tpu.memory_space<vmem>>
            %dma_start3A_265 = arith.constant 0 : i32
            %dma_start3A_266 = tpu.memref_slice %arg4[%add3A_262, %dma_start3A_265] : memref<4096x14336xf32, #tpu.memory_space<hbm>> -> memref<1x14336xf32, #tpu.memory_space<hbm>>
            %dma_start3A_267 = tpu.memref_squeeze %dma_start3A_266 : memref<1x14336xf32, #tpu.memory_space<hbm>> -> memref<14336xf32, #tpu.memory_space<hbm>>
            %dma_start3A_268 = arith.constant 0 : i32
            %dma_start3A_269 = tpu.memref_slice %arg4[%add3A_262, %dma_start3A_268] : memref<4096x14336xf32, #tpu.memory_space<hbm>> -> memref<1x14336xf32, #tpu.memory_space<hbm>>
            %dma_start3A_270 = tpu.memref_squeeze %dma_start3A_269 : memref<1x14336xf32, #tpu.memory_space<hbm>> -> memref<14336xf32, #tpu.memory_space<hbm>>
            %dma_start3A_271 = arith.constant 0 : i32
            %dma_start3A_272 = tpu.memref_slice %arg5[%squeeze3A_253, %dma_start3A_271] : memref<8x14336xf32, #tpu.memory_space<vmem>> -> memref<1x14336xf32, #tpu.memory_space<vmem>>
            %dma_start3A_273 = tpu.memref_squeeze %dma_start3A_272 : memref<1x14336xf32, #tpu.memory_space<vmem>> -> memref<14336xf32, #tpu.memory_space<vmem>>
            tpu.enqueue_dma source(%dma_start3A_273 : memref<14336xf32, #tpu.memory_space<vmem>>) target(%dma_start3A_270 : memref<14336xf32, #tpu.memory_space<hbm>>) target_semaphore(%arg7 : memref<!tpu.dma_semaphore, #tpu.memory_space<semaphore_mem>>)
          } else {
          }
        } else {
        }
        %gt3A_223 = arith.constant 0 : i32
        %gt3A_224 = arith.cmpi sgt, %reduce_sum3A_192, %gt3A_223 : i32
        %convert_element_type3A_225 = arith.extui %gt3A_224 : i1 to i32
        %cond3A_226 = arith.constant 0 : i32
        %cond3A_227 = arith.cmpi ne, %convert_element_type3A_225, %cond3A_226 : i32
        scf.if %cond3A_227 {
          %slice3A = vector.extract_strided_slice %select_n3A_204 {offsets = [8], sizes = [1], strides = [1]} : vector<16xi32> to vector<1xi32>
          %squeeze3A = vector.extract %slice3A[0] : i32 from vector<1xi32>
          %ge3A_233 = arith.constant 0 : i32
          %ge3A_234 = arith.cmpi sge, %squeeze3A, %ge3A_233 : i32
          %convert_element_type3A_235 = arith.extui %ge3A_234 : i1 to i32
          %cond3A_236 = arith.constant 0 : i32
          %cond3A_237 = arith.cmpi ne, %convert_element_type3A_235, %cond3A_236 : i32
          scf.if %cond3A_237 {
            %mul3A_259 = arith.constant 16 : i32
            %mul3A_260 = arith.muli %add3A_90, %mul3A_259 : i32
            %add3A_261 = arith.constant 8 : i32
            %add3A_262 = arith.addi %mul3A_260, %add3A_261 : i32
            %dma_start3A = arith.constant 0 : i32
            %dma_start3A_263 = tpu.memref_slice %arg5[%squeeze3A, %dma_start3A] : memref<8x14336xf32, #tpu.memory_space<vmem>> -> memref<1x14336xf32, #tpu.memory_space<vmem>>
            %dma_start3A_264 = tpu.memref_squeeze %dma_start3A_263 : memref<1x14336xf32, #tpu.memory_space<vmem>> -> memref<14336xf32, #tpu.memory_space<vmem>>
            %dma_start3A_265 = arith.constant 0 : i32
            %dma_start3A_266 = tpu.memref_slice %arg4[%add3A_262, %dma_start3A_265] : memref<4096x14336xf32, #tpu.memory_space<hbm>> -> memref<1x14336xf32, #tpu.memory_space<hbm>>
            %dma_start3A_267 = tpu.memref_squeeze %dma_start3A_266 : memref<1x14336xf32, #tpu.memory_space<hbm>> -> memref<14336xf32, #tpu.memory_space<hbm>>
            %dma_start3A_268 = arith.constant 0 : i32
            %dma_start3A_269 = tpu.memref_slice %arg4[%add3A_262, %dma_start3A_268] : memref<4096x14336xf32, #tpu.memory_space<hbm>> -> memref<1x14336xf32, #tpu.memory_space<hbm>>
            %dma_start3A_270 = tpu.memref_squeeze %dma_start3A_269 : memref<1x14336xf32, #tpu.memory_space<hbm>> -> memref<14336xf32, #tpu.memory_space<hbm>>
            %dma_start3A_271 = arith.constant 0 : i32
            %dma_start3A_272 = tpu.memref_slice %arg5[%squeeze3A, %dma_start3A_271] : memref<8x14336xf32, #tpu.memory_space<vmem>> -> memref<1x14336xf32, #tpu.memory_space<vmem>>
            %dma_start3A_273 = tpu.memref_squeeze %dma_start3A_272 : memref<1x14336xf32, #tpu.memory_space<vmem>> -> memref<14336xf32, #tpu.memory_space<vmem>>
            tpu.enqueue_dma source(%dma_start3A_273 : memref<14336xf32, #tpu.memory_space<vmem>>) target(%dma_start3A_270 : memref<14336xf32, #tpu.memory_space<hbm>>) target_semaphore(%arg7 : memref<!tpu.dma_semaphore, #tpu.memory_space<semaphore_mem>>)
          } else {
          }
          %slice3A_238 = vector.extract_strided_slice %select_n3A_204 {offsets = [9], sizes = [1], strides = [1]} : vector<16xi32> to vector<1xi32>
          %squeeze3A_239 = vector.extract %slice3A_238[0] : i32 from vector<1xi32>
          %ge3A_240 = arith.constant 0 : i32
          %ge3A_241 = arith.cmpi sge, %squeeze3A_239, %ge3A_240 : i32
          %convert_element_type3A_242 = arith.extui %ge3A_241 : i1 to i32
          %cond3A_243 = arith.constant 0 : i32
          %cond3A_244 = arith.cmpi ne, %convert_element_type3A_242, %cond3A_243 : i32
          scf.if %cond3A_244 {
            %mul3A_259 = arith.constant 16 : i32
            %mul3A_260 = arith.muli %add3A_90, %mul3A_259 : i32
            %add3A_261 = arith.constant 9 : i32
            %add3A_262 = arith.addi %mul3A_260, %add3A_261 : i32
            %dma_start3A = arith.constant 0 : i32
            %dma_start3A_263 = tpu.memref_slice %arg5[%squeeze3A_239, %dma_start3A] : memref<8x14336xf32, #tpu.memory_space<vmem>> -> memref<1x14336xf32, #tpu.memory_space<vmem>>
            %dma_start3A_264 = tpu.memref_squeeze %dma_start3A_263 : memref<1x14336xf32, #tpu.memory_space<vmem>> -> memref<14336xf32, #tpu.memory_space<vmem>>
            %dma_start3A_265 = arith.constant 0 : i32
            %dma_start3A_266 = tpu.memref_slice %arg4[%add3A_262, %dma_start3A_265] : memref<4096x14336xf32, #tpu.memory_space<hbm>> -> memref<1x14336xf32, #tpu.memory_space<hbm>>
            %dma_start3A_267 = tpu.memref_squeeze %dma_start3A_266 : memref<1x14336xf32, #tpu.memory_space<hbm>> -> memref<14336xf32, #tpu.memory_space<hbm>>
            %dma_start3A_268 = arith.constant 0 : i32
            %dma_start3A_269 = tpu.memref_slice %arg4[%add3A_262, %dma_start3A_268] : memref<4096x14336xf32, #tpu.memory_space<hbm>> -> memref<1x14336xf32, #tpu.memory_space<hbm>>
            %dma_start3A_270 = tpu.memref_squeeze %dma_start3A_269 : memref<1x14336xf32, #tpu.memory_space<hbm>> -> memref<14336xf32, #tpu.memory_space<hbm>>
            %dma_start3A_271 = arith.constant 0 : i32
            %dma_start3A_272 = tpu.memref_slice %arg5[%squeeze3A_239, %dma_start3A_271] : memref<8x14336xf32, #tpu.memory_space<vmem>> -> memref<1x14336xf32, #tpu.memory_space<vmem>>
            %dma_start3A_273 = tpu.memref_squeeze %dma_start3A_272 : memref<1x14336xf32, #tpu.memory_space<vmem>> -> memref<14336xf32, #tpu.memory_space<vmem>>
            tpu.enqueue_dma source(%dma_start3A_273 : memref<14336xf32, #tpu.memory_space<vmem>>) target(%dma_start3A_270 : memref<14336xf32, #tpu.memory_space<hbm>>) target_semaphore(%arg7 : memref<!tpu.dma_semaphore, #tpu.memory_space<semaphore_mem>>)
          } else {
          }
          %slice3A_245 = vector.extract_strided_slice %select_n3A_204 {offsets = [10], sizes = [1], strides = [1]} : vector<16xi32> to vector<1xi32>
          %squeeze3A_246 = vector.extract %slice3A_245[0] : i32 from vector<1xi32>
          %ge3A_247 = arith.constant 0 : i32
          %ge3A_248 = arith.cmpi sge, %squeeze3A_246, %ge3A_247 : i32
          %convert_element_type3A_249 = arith.extui %ge3A_248 : i1 to i32
          %cond3A_250 = arith.constant 0 : i32
          %cond3A_251 = arith.cmpi ne, %convert_element_type3A_249, %cond3A_250 : i32
          scf.if %cond3A_251 {
            %mul3A_259 = arith.constant 16 : i32
            %mul3A_260 = arith.muli %add3A_90, %mul3A_259 : i32
            %add3A_261 = arith.constant 10 : i32
            %add3A_262 = arith.addi %mul3A_260, %add3A_261 : i32
            %dma_start3A = arith.constant 0 : i32
            %dma_start3A_263 = tpu.memref_slice %arg5[%squeeze3A_246, %dma_start3A] : memref<8x14336xf32, #tpu.memory_space<vmem>> -> memref<1x14336xf32, #tpu.memory_space<vmem>>
            %dma_start3A_264 = tpu.memref_squeeze %dma_start3A_263 : memref<1x14336xf32, #tpu.memory_space<vmem>> -> memref<14336xf32, #tpu.memory_space<vmem>>
            %dma_start3A_265 = arith.constant 0 : i32
            %dma_start3A_266 = tpu.memref_slice %arg4[%add3A_262, %dma_start3A_265] : memref<4096x14336xf32, #tpu.memory_space<hbm>> -> memref<1x14336xf32, #tpu.memory_space<hbm>>
            %dma_start3A_267 = tpu.memref_squeeze %dma_start3A_266 : memref<1x14336xf32, #tpu.memory_space<hbm>> -> memref<14336xf32, #tpu.memory_space<hbm>>
            %dma_start3A_268 = arith.constant 0 : i32
            %dma_start3A_269 = tpu.memref_slice %arg4[%add3A_262, %dma_start3A_268] : memref<4096x14336xf32, #tpu.memory_space<hbm>> -> memref<1x14336xf32, #tpu.memory_space<hbm>>
            %dma_start3A_270 = tpu.memref_squeeze %dma_start3A_269 : memref<1x14336xf32, #tpu.memory_space<hbm>> -> memref<14336xf32, #tpu.memory_space<hbm>>
            %dma_start3A_271 = arith.constant 0 : i32
            %dma_start3A_272 = tpu.memref_slice %arg5[%squeeze3A_246, %dma_start3A_271] : memref<8x14336xf32, #tpu.memory_space<vmem>> -> memref<1x14336xf32, #tpu.memory_space<vmem>>
            %dma_start3A_273 = tpu.memref_squeeze %dma_start3A_272 : memref<1x14336xf32, #tpu.memory_space<vmem>> -> memref<14336xf32, #tpu.memory_space<vmem>>
            tpu.enqueue_dma source(%dma_start3A_273 : memref<14336xf32, #tpu.memory_space<vmem>>) target(%dma_start3A_270 : memref<14336xf32, #tpu.memory_space<hbm>>) target_semaphore(%arg7 : memref<!tpu.dma_semaphore, #tpu.memory_space<semaphore_mem>>)
          } else {
          }
          %slice3A_252 = vector.extract_strided_slice %select_n3A_204 {offsets = [11], sizes = [1], strides = [1]} : vector<16xi32> to vector<1xi32>
          %squeeze3A_253 = vector.extract %slice3A_252[0] : i32 from vector<1xi32>
          %ge3A_254 = arith.constant 0 : i32
          %ge3A_255 = arith.cmpi sge, %squeeze3A_253, %ge3A_254 : i32
          %convert_element_type3A_256 = arith.extui %ge3A_255 : i1 to i32
          %cond3A_257 = arith.constant 0 : i32
          %cond3A_258 = arith.cmpi ne, %convert_element_type3A_256, %cond3A_257 : i32
          scf.if %cond3A_258 {
            %mul3A_259 = arith.constant 16 : i32
            %mul3A_260 = arith.muli %add3A_90, %mul3A_259 : i32
            %add3A_261 = arith.constant 11 : i32
            %add3A_262 = arith.addi %mul3A_260, %add3A_261 : i32
            %dma_start3A = arith.constant 0 : i32
            %dma_start3A_263 = tpu.memref_slice %arg5[%squeeze3A_253, %dma_start3A] : memref<8x14336xf32, #tpu.memory_space<vmem>> -> memref<1x14336xf32, #tpu.memory_space<vmem>>
            %dma_start3A_264 = tpu.memref_squeeze %dma_start3A_263 : memref<1x14336xf32, #tpu.memory_space<vmem>> -> memref<14336xf32, #tpu.memory_space<vmem>>
            %dma_start3A_265 = arith.constant 0 : i32
            %dma_start3A_266 = tpu.memref_slice %arg4[%add3A_262, %dma_start3A_265] : memref<4096x14336xf32, #tpu.memory_space<hbm>> -> memref<1x14336xf32, #tpu.memory_space<hbm>>
            %dma_start3A_267 = tpu.memref_squeeze %dma_start3A_266 : memref<1x14336xf32, #tpu.memory_space<hbm>> -> memref<14336xf32, #tpu.memory_space<hbm>>
            %dma_start3A_268 = arith.constant 0 : i32
            %dma_start3A_269 = tpu.memref_slice %arg4[%add3A_262, %dma_start3A_268] : memref<4096x14336xf32, #tpu.memory_space<hbm>> -> memref<1x14336xf32, #tpu.memory_space<hbm>>
            %dma_start3A_270 = tpu.memref_squeeze %dma_start3A_269 : memref<1x14336xf32, #tpu.memory_space<hbm>> -> memref<14336xf32, #tpu.memory_space<hbm>>
            %dma_start3A_271 = arith.constant 0 : i32
            %dma_start3A_272 = tpu.memref_slice %arg5[%squeeze3A_253, %dma_start3A_271] : memref<8x14336xf32, #tpu.memory_space<vmem>> -> memref<1x14336xf32, #tpu.memory_space<vmem>>
            %dma_start3A_273 = tpu.memref_squeeze %dma_start3A_272 : memref<1x14336xf32, #tpu.memory_space<vmem>> -> memref<14336xf32, #tpu.memory_space<vmem>>
            tpu.enqueue_dma source(%dma_start3A_273 : memref<14336xf32, #tpu.memory_space<vmem>>) target(%dma_start3A_270 : memref<14336xf32, #tpu.memory_space<hbm>>) target_semaphore(%arg7 : memref<!tpu.dma_semaphore, #tpu.memory_space<semaphore_mem>>)
          } else {
          }
        } else {
        }
        %gt3A_228 = arith.constant 0 : i32
        %gt3A_229 = arith.cmpi sgt, %reduce_sum3A_201, %gt3A_228 : i32
        %convert_element_type3A_230 = arith.extui %gt3A_229 : i1 to i32
        %cond3A_231 = arith.constant 0 : i32
        %cond3A_232 = arith.cmpi ne, %convert_element_type3A_230, %cond3A_231 : i32
        scf.if %cond3A_232 {
          %slice3A = vector.extract_strided_slice %select_n3A_204 {offsets = [12], sizes = [1], strides = [1]} : vector<16xi32> to vector<1xi32>
          %squeeze3A = vector.extract %slice3A[0] : i32 from vector<1xi32>
          %ge3A_233 = arith.constant 0 : i32
          %ge3A_234 = arith.cmpi sge, %squeeze3A, %ge3A_233 : i32
          %convert_element_type3A_235 = arith.extui %ge3A_234 : i1 to i32
          %cond3A_236 = arith.constant 0 : i32
          %cond3A_237 = arith.cmpi ne, %convert_element_type3A_235, %cond3A_236 : i32
          scf.if %cond3A_237 {
            %mul3A_259 = arith.constant 16 : i32
            %mul3A_260 = arith.muli %add3A_90, %mul3A_259 : i32
            %add3A_261 = arith.constant 12 : i32
            %add3A_262 = arith.addi %mul3A_260, %add3A_261 : i32
            %dma_start3A = arith.constant 0 : i32
            %dma_start3A_263 = tpu.memref_slice %arg5[%squeeze3A, %dma_start3A] : memref<8x14336xf32, #tpu.memory_space<vmem>> -> memref<1x14336xf32, #tpu.memory_space<vmem>>
            %dma_start3A_264 = tpu.memref_squeeze %dma_start3A_263 : memref<1x14336xf32, #tpu.memory_space<vmem>> -> memref<14336xf32, #tpu.memory_space<vmem>>
            %dma_start3A_265 = arith.constant 0 : i32
            %dma_start3A_266 = tpu.memref_slice %arg4[%add3A_262, %dma_start3A_265] : memref<4096x14336xf32, #tpu.memory_space<hbm>> -> memref<1x14336xf32, #tpu.memory_space<hbm>>
            %dma_start3A_267 = tpu.memref_squeeze %dma_start3A_266 : memref<1x14336xf32, #tpu.memory_space<hbm>> -> memref<14336xf32, #tpu.memory_space<hbm>>
            %dma_start3A_268 = arith.constant 0 : i32
            %dma_start3A_269 = tpu.memref_slice %arg4[%add3A_262, %dma_start3A_268] : memref<4096x14336xf32, #tpu.memory_space<hbm>> -> memref<1x14336xf32, #tpu.memory_space<hbm>>
            %dma_start3A_270 = tpu.memref_squeeze %dma_start3A_269 : memref<1x14336xf32, #tpu.memory_space<hbm>> -> memref<14336xf32, #tpu.memory_space<hbm>>
            %dma_start3A_271 = arith.constant 0 : i32
            %dma_start3A_272 = tpu.memref_slice %arg5[%squeeze3A, %dma_start3A_271] : memref<8x14336xf32, #tpu.memory_space<vmem>> -> memref<1x14336xf32, #tpu.memory_space<vmem>>
            %dma_start3A_273 = tpu.memref_squeeze %dma_start3A_272 : memref<1x14336xf32, #tpu.memory_space<vmem>> -> memref<14336xf32, #tpu.memory_space<vmem>>
            tpu.enqueue_dma source(%dma_start3A_273 : memref<14336xf32, #tpu.memory_space<vmem>>) target(%dma_start3A_270 : memref<14336xf32, #tpu.memory_space<hbm>>) target_semaphore(%arg7 : memref<!tpu.dma_semaphore, #tpu.memory_space<semaphore_mem>>)
          } else {
          }
          %slice3A_238 = vector.extract_strided_slice %select_n3A_204 {offsets = [13], sizes = [1], strides = [1]} : vector<16xi32> to vector<1xi32>
          %squeeze3A_239 = vector.extract %slice3A_238[0] : i32 from vector<1xi32>
          %ge3A_240 = arith.constant 0 : i32
          %ge3A_241 = arith.cmpi sge, %squeeze3A_239, %ge3A_240 : i32
          %convert_element_type3A_242 = arith.extui %ge3A_241 : i1 to i32
          %cond3A_243 = arith.constant 0 : i32
          %cond3A_244 = arith.cmpi ne, %convert_element_type3A_242, %cond3A_243 : i32
          scf.if %cond3A_244 {
            %mul3A_259 = arith.constant 16 : i32
            %mul3A_260 = arith.muli %add3A_90, %mul3A_259 : i32
            %add3A_261 = arith.constant 13 : i32
            %add3A_262 = arith.addi %mul3A_260, %add3A_261 : i32
            %dma_start3A = arith.constant 0 : i32
            %dma_start3A_263 = tpu.memref_slice %arg5[%squeeze3A_239, %dma_start3A] : memref<8x14336xf32, #tpu.memory_space<vmem>> -> memref<1x14336xf32, #tpu.memory_space<vmem>>
            %dma_start3A_264 = tpu.memref_squeeze %dma_start3A_263 : memref<1x14336xf32, #tpu.memory_space<vmem>> -> memref<14336xf32, #tpu.memory_space<vmem>>
            %dma_start3A_265 = arith.constant 0 : i32
            %dma_start3A_266 = tpu.memref_slice %arg4[%add3A_262, %dma_start3A_265] : memref<4096x14336xf32, #tpu.memory_space<hbm>> -> memref<1x14336xf32, #tpu.memory_space<hbm>>
            %dma_start3A_267 = tpu.memref_squeeze %dma_start3A_266 : memref<1x14336xf32, #tpu.memory_space<hbm>> -> memref<14336xf32, #tpu.memory_space<hbm>>
            %dma_start3A_268 = arith.constant 0 : i32
            %dma_start3A_269 = tpu.memref_slice %arg4[%add3A_262, %dma_start3A_268] : memref<4096x14336xf32, #tpu.memory_space<hbm>> -> memref<1x14336xf32, #tpu.memory_space<hbm>>
            %dma_start3A_270 = tpu.memref_squeeze %dma_start3A_269 : memref<1x14336xf32, #tpu.memory_space<hbm>> -> memref<14336xf32, #tpu.memory_space<hbm>>
            %dma_start3A_271 = arith.constant 0 : i32
            %dma_start3A_272 = tpu.memref_slice %arg5[%squeeze3A_239, %dma_start3A_271] : memref<8x14336xf32, #tpu.memory_space<vmem>> -> memref<1x14336xf32, #tpu.memory_space<vmem>>
            %dma_start3A_273 = tpu.memref_squeeze %dma_start3A_272 : memref<1x14336xf32, #tpu.memory_space<vmem>> -> memref<14336xf32, #tpu.memory_space<vmem>>
            tpu.enqueue_dma source(%dma_start3A_273 : memref<14336xf32, #tpu.memory_space<vmem>>) target(%dma_start3A_270 : memref<14336xf32, #tpu.memory_space<hbm>>) target_semaphore(%arg7 : memref<!tpu.dma_semaphore, #tpu.memory_space<semaphore_mem>>)
          } else {
          }
          %slice3A_245 = vector.extract_strided_slice %select_n3A_204 {offsets = [14], sizes = [1], strides = [1]} : vector<16xi32> to vector<1xi32>
          %squeeze3A_246 = vector.extract %slice3A_245[0] : i32 from vector<1xi32>
          %ge3A_247 = arith.constant 0 : i32
          %ge3A_248 = arith.cmpi sge, %squeeze3A_246, %ge3A_247 : i32
          %convert_element_type3A_249 = arith.extui %ge3A_248 : i1 to i32
          %cond3A_250 = arith.constant 0 : i32
          %cond3A_251 = arith.cmpi ne, %convert_element_type3A_249, %cond3A_250 : i32
          scf.if %cond3A_251 {
            %mul3A_259 = arith.constant 16 : i32
            %mul3A_260 = arith.muli %add3A_90, %mul3A_259 : i32
            %add3A_261 = arith.constant 14 : i32
            %add3A_262 = arith.addi %mul3A_260, %add3A_261 : i32
            %dma_start3A = arith.constant 0 : i32
            %dma_start3A_263 = tpu.memref_slice %arg5[%squeeze3A_246, %dma_start3A] : memref<8x14336xf32, #tpu.memory_space<vmem>> -> memref<1x14336xf32, #tpu.memory_space<vmem>>
            %dma_start3A_264 = tpu.memref_squeeze %dma_start3A_263 : memref<1x14336xf32, #tpu.memory_space<vmem>> -> memref<14336xf32, #tpu.memory_space<vmem>>
            %dma_start3A_265 = arith.constant 0 : i32
            %dma_start3A_266 = tpu.memref_slice %arg4[%add3A_262, %dma_start3A_265] : memref<4096x14336xf32, #tpu.memory_space<hbm>> -> memref<1x14336xf32, #tpu.memory_space<hbm>>
            %dma_start3A_267 = tpu.memref_squeeze %dma_start3A_266 : memref<1x14336xf32, #tpu.memory_space<hbm>> -> memref<14336xf32, #tpu.memory_space<hbm>>
            %dma_start3A_268 = arith.constant 0 : i32
            %dma_start3A_269 = tpu.memref_slice %arg4[%add3A_262, %dma_start3A_268] : memref<4096x14336xf32, #tpu.memory_space<hbm>> -> memref<1x14336xf32, #tpu.memory_space<hbm>>
            %dma_start3A_270 = tpu.memref_squeeze %dma_start3A_269 : memref<1x14336xf32, #tpu.memory_space<hbm>> -> memref<14336xf32, #tpu.memory_space<hbm>>
            %dma_start3A_271 = arith.constant 0 : i32
            %dma_start3A_272 = tpu.memref_slice %arg5[%squeeze3A_246, %dma_start3A_271] : memref<8x14336xf32, #tpu.memory_space<vmem>> -> memref<1x14336xf32, #tpu.memory_space<vmem>>
            %dma_start3A_273 = tpu.memref_squeeze %dma_start3A_272 : memref<1x14336xf32, #tpu.memory_space<vmem>> -> memref<14336xf32, #tpu.memory_space<vmem>>
            tpu.enqueue_dma source(%dma_start3A_273 : memref<14336xf32, #tpu.memory_space<vmem>>) target(%dma_start3A_270 : memref<14336xf32, #tpu.memory_space<hbm>>) target_semaphore(%arg7 : memref<!tpu.dma_semaphore, #tpu.memory_space<semaphore_mem>>)
          } else {
          }
          %slice3A_252 = vector.extract_strided_slice %select_n3A_204 {offsets = [15], sizes = [1], strides = [1]} : vector<16xi32> to vector<1xi32>
          %squeeze3A_253 = vector.extract %slice3A_252[0] : i32 from vector<1xi32>
          %ge3A_254 = arith.constant 0 : i32
          %ge3A_255 = arith.cmpi sge, %squeeze3A_253, %ge3A_254 : i32
          %convert_element_type3A_256 = arith.extui %ge3A_255 : i1 to i32
          %cond3A_257 = arith.constant 0 : i32
          %cond3A_258 = arith.cmpi ne, %convert_element_type3A_256, %cond3A_257 : i32
          scf.if %cond3A_258 {
            %mul3A_259 = arith.constant 16 : i32
            %mul3A_260 = arith.muli %add3A_90, %mul3A_259 : i32
            %add3A_261 = arith.constant 15 : i32
            %add3A_262 = arith.addi %mul3A_260, %add3A_261 : i32
            %dma_start3A = arith.constant 0 : i32
            %dma_start3A_263 = tpu.memref_slice %arg5[%squeeze3A_253, %dma_start3A] : memref<8x14336xf32, #tpu.memory_space<vmem>> -> memref<1x14336xf32, #tpu.memory_space<vmem>>
            %dma_start3A_264 = tpu.memref_squeeze %dma_start3A_263 : memref<1x14336xf32, #tpu.memory_space<vmem>> -> memref<14336xf32, #tpu.memory_space<vmem>>
            %dma_start3A_265 = arith.constant 0 : i32
            %dma_start3A_266 = tpu.memref_slice %arg4[%add3A_262, %dma_start3A_265] : memref<4096x14336xf32, #tpu.memory_space<hbm>> -> memref<1x14336xf32, #tpu.memory_space<hbm>>
            %dma_start3A_267 = tpu.memref_squeeze %dma_start3A_266 : memref<1x14336xf32, #tpu.memory_space<hbm>> -> memref<14336xf32, #tpu.memory_space<hbm>>
            %dma_start3A_268 = arith.constant 0 : i32
            %dma_start3A_269 = tpu.memref_slice %arg4[%add3A_262, %dma_start3A_268] : memref<4096x14336xf32, #tpu.memory_space<hbm>> -> memref<1x14336xf32, #tpu.memory_space<hbm>>
            %dma_start3A_270 = tpu.memref_squeeze %dma_start3A_269 : memref<1x14336xf32, #tpu.memory_space<hbm>> -> memref<14336xf32, #tpu.memory_space<hbm>>
            %dma_start3A_271 = arith.constant 0 : i32
            %dma_start3A_272 = tpu.memref_slice %arg5[%squeeze3A_253, %dma_start3A_271] : memref<8x14336xf32, #tpu.memory_space<vmem>> -> memref<1x14336xf32, #tpu.memory_space<vmem>>
            %dma_start3A_273 = tpu.memref_squeeze %dma_start3A_272 : memref<1x14336xf32, #tpu.memory_space<vmem>> -> memref<14336xf32, #tpu.memory_space<vmem>>
            tpu.enqueue_dma source(%dma_start3A_273 : memref<14336xf32, #tpu.memory_space<vmem>>) target(%dma_start3A_270 : memref<14336xf32, #tpu.memory_space<hbm>>) target_semaphore(%arg7 : memref<!tpu.dma_semaphore, #tpu.memory_space<semaphore_mem>>)
          } else {
          }
        } else {
        }
      } else {
      }
      %add3A_212 = arith.addi %scan3A_86, %reduce_sum3A_104 : i32
      scf.yield %add3A_212 : i32
    }
    %scan3A_38 = arith.constant 256 : i32
    %sub3A_39 = arith.constant 1 : i32
    %sub3A_40 = arith.subi %sub3A_39, %select_n3A_9 : i32
    %add3A_41 = arith.addi %scan3A_37, %sub3A_40 : i32
    %jit3A_42 = arith.constant 2 : i32
    %div3A_43 = arith.divsi %add3A_41, %jit3A_42 : i32
    %sign3A_44 = arith.constant 0 : i32
    %sign3A_45 = arith.cmpi sgt, %add3A_41, %sign3A_44 : i32
    %sign3A_46 = arith.extui %sign3A_45 : i1 to i32
    %sign3A_47 = arith.constant 0 : i32
    %sign3A_48 = arith.cmpi slt, %add3A_41, %sign3A_47 : i32
    %sign3A_49 = arith.extui %sign3A_48 : i1 to i32
    %sign3A_50 = arith.subi %sign3A_46, %sign3A_49 : i32
    %sign3A_51 = arith.constant 0 : i32
    %sign3A_52 = arith.cmpi sgt, %jit3A_42, %sign3A_51 : i32
    %sign3A_53 = arith.extui %sign3A_52 : i1 to i32
    %sign3A_54 = arith.constant 0 : i32
    %sign3A_55 = arith.cmpi slt, %jit3A_42, %sign3A_54 : i32
    %sign3A_56 = arith.extui %sign3A_55 : i1 to i32
    %sign3A_57 = arith.subi %sign3A_53, %sign3A_56 : i32
    %ne3A_58 = arith.cmpi ne, %sign3A_50, %sign3A_57 : i32
    %rem3A_59 = arith.remsi %add3A_41, %jit3A_42 : i32
    %ne3A_60 = arith.constant 0 : i32
    %ne3A_61 = arith.cmpi ne, %rem3A_59, %ne3A_60 : i32
    %and3A_62 = arith.andi %ne3A_58, %ne3A_61 : i1
    %sub3A_63 = arith.constant 1 : i32
    %sub3A_64 = arith.subi %div3A_43, %sub3A_63 : i32
    %select_n3A_65 = arith.select %and3A_62, %sub3A_64, %div3A_43 : i32
    %sub3A_66 = arith.constant 0 : i32
    %sub3A_67 = arith.subi %select_n3A_65, %sub3A_66 : i32
    %sub3A_68 = arith.constant 1 : i32
    %sub3A_69 = arith.constant 1 : i32
    %sub3A_70 = arith.subi %sub3A_68, %sub3A_69 : i32
    %add3A_71 = arith.addi %sub3A_67, %sub3A_70 : i32
    %div3A_72 = arith.constant 1 : i32
    %div3A_73 = arith.divsi %add3A_71, %div3A_72 : i32
    %while3A = arith.constant 0 : i32
    %while3A_74 = arith.constant 1 : i32
    %while3A_75 = arith.constant 0 : i32
    %while3A_76 = arith.constant 0 : i32
    %while3A_77 = arith.subi %div3A_73, %while3A_76 : i32
    %while3A_78 = arith.addi %while3A_76, %while3A_77 : i32
    %while3A_79 = arith.constant 1 : i32
    %while3A_80 = arith.divsi %while3A_77, %while3A_79 : i32
    %while3A_81 = arith.muli %while3A_80, %while3A_79 : i32
    %while3A_82 = arith.addi %while3A_76, %while3A_81 : i32
    %while3A_83 = arith.constant 1 : i32
    scf.for %while3A_85 = %while3A_76 to %while3A_82 step %while3A_83  : i32 {
      %mul3A_86 = arith.muli %while3A_85, %while3A_74 : i32
      %add3A_87 = arith.addi %while3A_75, %mul3A_86 : i32
      %dma_wait3A = arith.constant 0 : i32
      %dma_wait3A_88 = arith.constant 0 : i32
      %dma_wait3A_89 = arith.constant 0 : i32
      %dma_wait3A_90 = tpu.memref_slice %arg5[%dma_wait3A, %dma_wait3A_89] : memref<8x14336xf32, #tpu.memory_space<vmem>> -> memref<1x14336xf32, #tpu.memory_space<vmem>>
      %dma_wait3A_91 = tpu.memref_squeeze %dma_wait3A_90 : memref<1x14336xf32, #tpu.memory_space<vmem>> -> memref<14336xf32, #tpu.memory_space<vmem>>
      %dma_wait3A_92 = arith.constant 0 : i32
      %dma_wait3A_93 = tpu.memref_slice %arg4[%dma_wait3A_88, %dma_wait3A_92] : memref<4096x14336xf32, #tpu.memory_space<hbm>> -> memref<1x14336xf32, #tpu.memory_space<hbm>>
      %dma_wait3A_94 = tpu.memref_squeeze %dma_wait3A_93 : memref<1x14336xf32, #tpu.memory_space<hbm>> -> memref<14336xf32, #tpu.memory_space<hbm>>
      %dma_wait3A_95 = arith.constant 0 : i32
      %dma_wait3A_96 = tpu.memref_slice %arg4[%dma_wait3A_88, %dma_wait3A_95] : memref<4096x14336xf32, #tpu.memory_space<hbm>> -> memref<1x14336xf32, #tpu.memory_space<hbm>>
      %dma_wait3A_97 = tpu.memref_squeeze %dma_wait3A_96 : memref<1x14336xf32, #tpu.memory_space<hbm>> -> memref<14336xf32, #tpu.memory_space<hbm>>
      %dma_wait3A_98 = arith.constant 0 : i32
      %dma_wait3A_99 = tpu.memref_slice %arg5[%dma_wait3A, %dma_wait3A_98] : memref<8x14336xf32, #tpu.memory_space<vmem>> -> memref<1x14336xf32, #tpu.memory_space<vmem>>
      %dma_wait3A_100 = tpu.memref_squeeze %dma_wait3A_99 : memref<1x14336xf32, #tpu.memory_space<vmem>> -> memref<14336xf32, #tpu.memory_space<vmem>>
      tpu.wait_dma2 semaphore(%arg7 : memref<!tpu.dma_semaphore, #tpu.memory_space<semaphore_mem>>) src(%dma_wait3A_100 : memref<14336xf32, #tpu.memory_space<vmem>>) dst(%dma_wait3A_97 : memref<14336xf32, #tpu.memory_space<hbm>>)
    }
    %while3A_84 = arith.constant 1 : i32
    scf.for %while3A_85 = %while3A_82 to %while3A_78 step %while3A_84  : i32 {
      %mul3A_86 = arith.muli %while3A_85, %while3A_74 : i32
      %add3A_87 = arith.addi %while3A_75, %mul3A_86 : i32
      %dma_wait3A = arith.constant 0 : i32
      %dma_wait3A_88 = arith.constant 0 : i32
      %dma_wait3A_89 = arith.constant 0 : i32
      %dma_wait3A_90 = tpu.memref_slice %arg5[%dma_wait3A, %dma_wait3A_89] : memref<8x14336xf32, #tpu.memory_space<vmem>> -> memref<1x14336xf32, #tpu.memory_space<vmem>>
      %dma_wait3A_91 = tpu.memref_squeeze %dma_wait3A_90 : memref<1x14336xf32, #tpu.memory_space<vmem>> -> memref<14336xf32, #tpu.memory_space<vmem>>
      %dma_wait3A_92 = arith.constant 0 : i32
      %dma_wait3A_93 = tpu.memref_slice %arg4[%dma_wait3A_88, %dma_wait3A_92] : memref<4096x14336xf32, #tpu.memory_space<hbm>> -> memref<1x14336xf32, #tpu.memory_space<hbm>>
      %dma_wait3A_94 = tpu.memref_squeeze %dma_wait3A_93 : memref<1x14336xf32, #tpu.memory_space<hbm>> -> memref<14336xf32, #tpu.memory_space<hbm>>
      %dma_wait3A_95 = arith.constant 0 : i32
      %dma_wait3A_96 = tpu.memref_slice %arg4[%dma_wait3A_88, %dma_wait3A_95] : memref<4096x14336xf32, #tpu.memory_space<hbm>> -> memref<1x14336xf32, #tpu.memory_space<hbm>>
      %dma_wait3A_97 = tpu.memref_squeeze %dma_wait3A_96 : memref<1x14336xf32, #tpu.memory_space<hbm>> -> memref<14336xf32, #tpu.memory_space<hbm>>
      %dma_wait3A_98 = arith.constant 0 : i32
      %dma_wait3A_99 = tpu.memref_slice %arg5[%dma_wait3A, %dma_wait3A_98] : memref<8x14336xf32, #tpu.memory_space<vmem>> -> memref<1x14336xf32, #tpu.memory_space<vmem>>
      %dma_wait3A_100 = tpu.memref_squeeze %dma_wait3A_99 : memref<1x14336xf32, #tpu.memory_space<vmem>> -> memref<14336xf32, #tpu.memory_space<vmem>>
      tpu.wait_dma2 semaphore(%arg7 : memref<!tpu.dma_semaphore, #tpu.memory_space<semaphore_mem>>) src(%dma_wait3A_100 : memref<14336xf32, #tpu.memory_space<vmem>>) dst(%dma_wait3A_97 : memref<14336xf32, #tpu.memory_space<hbm>>)
    }
    return
  }
}

</mosaic_0001>

<sc_bundles>
// kernel: kernel.3.cloned.1.call-start
scs
__scs_entry_jumppad:
0x0: {  	(pc) =	sbr.rel $0x88, $3  }
0x1: {  	(tag) =	ssettag $0x0;
	lr =	simm.s32 $0x1  }
0x2: {  	[smem:$0x3F9F] =	sst lr;
	_ =	strace $0xD0000000  }
0x3: {  	_ = 	snop  }
0x4: {  	_ = 	snop  }
0x5: {  	_ = 	snop  }
0x6: {  	_ = 	snop  }
0x7: {  	_ = 	snop  }
__scs_overlays_trampoline_lowered:
0x8: {  	[smem:$0x3FAE] =	sst s0  }
0x9: {  	[smem:$0x3FAF] =	sst s1  }
0xa: {  	[smem:$0x3FB0] =	sst s2  }
0xb: {  	[smem:$0x3FB1] =	sst s3  }
0xc: {  	[smem:$0x3FB2] =	sst s4  }
0xd: {  	[smem:$0x3FB3] =	sst s5  }
0xe: {  	[smem:$0x3FB4] =	sst s6  }
0xf: {  	[smem:$0x3FB5] =	sst s7  }
0x10: {  	[smem:$0x3FB6] =	sst s8  }
0x11: {  	[smem:$0x3FB7] =	sst s9;
	s0 =	simm.s32 @!p0 $0x0  }
0x12: {  	s1 =	sld [smem:$0x3F9D];
	s0 =	simm.s32 @p0 $0x1  }
0x13: {  	[smem:$0x3FB8] =	sst s0;
	s0 =	simm.s32 @!p1 $0x0  }
0x14: {  	s2 =	sld [smem:$0x3F9C];
	s0 =	simm.s32 @p1 $0x1  }
0x15: {  	[smem:$0x3FB9] =	sst s0;
	s0 =	simm.s32 @!p2 $0x0  }
0x16: {  	s3 =	sld [smem:$0x3FDB];
	s0 =	simm.s32 @p2 $0x1  }
0x17: {  	s4 =	simm.s32 $0x1BF5;
	[smem:$0x3FBB] =	sst s0  }
0x18: {  	s0 =	sld [smem:$0x3F9E];
	_ =	swait.ge [sflag:s4], $0x0  }
0x19: {  	s7 =	sld [smem:$0x3F9F]  }
0x1a: {  	s8 =	sadd.s32 $0xFFFFE003, lr  }
0x1b: {  	s9 =	sadd.s32 $0xFFFFFEF7, lr;
	s5 =	simm.s32 $0xFFFFFFFF;
	p2 =	slt.u32 s8, $0xFFFFF086  }
0x1c: {  	p1 =	slt.u32 s9, $0xF7A;
	s5 =	simm.s32 @!p2 $0x0  }
0x1d: {  	s5 =	simm.s32 @p1 $0x1;
	p0 =	seq.s32 s7, s2  }
0x1e: {  	s7 =	smul.u32 @!p0 $0xF7A, s2;
	p2 =	seq.s32 @!p0 s5, $0x0  }
0x1f: {  	s9 =	smul.u32 $0xF7A, s1;
	s8 =	simm.s32 @!p0 $0x1BF5;
	p2 =	por !p2, p0  }
0x20: {  	[sflag:s8] =	ssyncset.s32 @!p0 $0xFFFFF086;
	s6 =	sadd.s32 @!p0 s3, s7;
	s7 =	simm.s32 @!p0 $0x108  }
0x21: {  	s3 =	sadd.s32 s3, s9;
	s6 =	sadd.s32 @!p0 $0x88, s6;
	s7 =	simm.s32 @p2 $0x1082  }
0x22: {  	[simem:s7], [sflag:s8] =	dma.local @!p0 [hbm:s6], $0xF7A  }
0x23: {  	s9 =	sor.u32 $0xD0000000, s2;
	s6 =	simm.s32 $0x108;
	_ =	swait.ge @!p0 [sflag:s8], $0x0  }
0x24: {  	s3 =	sadd.s32 $0x88, s3;
	s6 =	simm.s32 @!p1 $0x1082;
	[sflag:s4] =	ssyncset.s32 $0xFFFFF086  }
0x25: {  	[simem:s6], [sflag:s4] =	dma.local [hbm:s3], $0xF7A  }
0x26: {  	[smem:$0x3F9F] =	sst s1;
	(tag) =	ssettag s2;
	_ =	strace s9  }
0x27: {  	s1 =	sld [smem:$0x3FAF]  }
0x28: {  	s2 =	sld [smem:$0x3FB0]  }
0x29: {  	s4 =	sld [smem:$0x3FB2]  }
0x2a: {  	p0 =	seq.s32 s5, $0x0;
	s5 =	sld [smem:$0x3FB3]  }
0x2b: {  	s6 =	sld [smem:$0x3FB4]  }
0x2c: {  	s7 =	sld [smem:$0x3FB5]  }
0x2d: {  	s3 =	simm.s32 $0x108;
	s8 =	sld [smem:$0x3FB6]  }
0x2e: {  	s3 =	simm.s32 @!p0 $0x1082;
	s9 =	sld [smem:$0x3FB7]  }
0x2f: {  	lr =	sadd.s32 s0, s3;
	s0 =	sld [smem:$0x3FAE]  }
0x30: {  	s3 =	sld [smem:$0x3FB1]  }
0x31: {  	[smem:$0x3FBA] =	sst s10  }
0x32: {  	s10 =	sld [smem:$0x3FB8];
	_ =	sdelay $0x3  }
0x33: {  	p0 =	seq.s32 s10, $0x1;
	s10 =	sld [smem:$0x3FBA];
	_ =	sdelay $0x3  }
0x34: {  	[smem:$0x3FBA] =	sst s10  }
0x35: {  	s10 =	sld [smem:$0x3FB9];
	_ =	sdelay $0x3  }
0x36: {  	p1 =	seq.s32 s10, $0x1;
	s10 =	sld [smem:$0x3FBA];
	_ =	sdelay $0x3  }
0x37: {  	[smem:$0x3FBA] =	sst s10  }
0x38: {  	s10 =	sld [smem:$0x3FBB]  }
0x39: {  	_ = 	snop;
	(pc) =	sbr.ind lr, $3  }
0x3a: {  	_ = 	snop  }
0x3b: {  	_ = 	snop  }
0x3c: {  	p2 =	seq.s32 s10, $0x1;
	s10 =	sld [smem:$0x3FBA]  }
0x3d: {  	_ =	shalt  }
0x3e: {  	_ =	shalt  }
0x3f: {  	_ =	shalt  }
0x40: {  	_ =	shalt  }
0x41: {  	_ =	shalt  }
0x42: {  	_ =	shalt  }
0x43: {  	_ =	shalt  }
0x44: {  	_ =	shalt  }
0x45: {  	_ =	shalt  }
0x46: {  	_ =	shalt  }
0x47: {  	_ =	shalt  }
0x48: {  	_ =	shalt  }
0x49: {  	_ =	shalt  }
0x4a: {  	_ =	shalt  }
0x4b: {  	_ =	shalt  }
0x4c: {  	_ =	shalt  }
0x4d: {  	_ =	shalt  }
0x4e: {  	_ =	shalt  }
0x4f: {  	_ =	shalt  }
0x50: {  	_ =	shalt  }
0x51: {  	_ =	shalt  }
0x52: {  	_ =	shalt  }
0x53: {  	_ =	shalt  }
0x54: {  	_ =	shalt  }
0x55: {  	_ =	shalt  }
0x56: {  	_ =	shalt  }
0x57: {  	_ =	shalt  }
0x58: {  	_ =	shalt  }
0x59: {  	_ =	shalt  }
0x5a: {  	_ =	shalt  }
0x5b: {  	_ =	shalt  }
0x5c: {  	_ =	shalt  }
0x5d: {  	_ =	shalt  }
0x5e: {  	_ =	shalt  }
0x5f: {  	_ =	shalt  }
0x60: {  	_ =	shalt  }
0x61: {  	_ =	shalt  }
0x62: {  	_ =	shalt  }
0x63: {  	_ =	shalt  }
0x64: {  	_ =	shalt  }
0x65: {  	_ =	shalt  }
0x66: {  	_ =	shalt  }
0x67: {  	_ =	shalt  }
0x68: {  	_ =	shalt  }
0x69: {  	_ =	shalt  }
0x6a: {  	_ =	shalt  }
0x6b: {  	_ =	shalt  }
0x6c: {  	_ =	shalt  }
0x6d: {  	_ =	shalt  }
0x6e: {  	_ =	shalt  }
0x6f: {  	_ =	shalt  }
0x70: {  	_ =	shalt  }
0x71: {  	_ =	shalt  }
0x72: {  	_ =	shalt  }
0x73: {  	_ =	shalt  }
0x74: {  	_ =	shalt  }
0x75: {  	_ =	shalt  }
0x76: {  	_ =	shalt  }
0x77: {  	_ =	shalt  }
0x78: {  	_ =	shalt  }
0x79: {  	_ =	shalt  }
0x7a: {  	_ =	shalt  }
0x7b: {  	_ =	shalt  }
0x7c: {  	_ =	shalt  }
0x7d: {  	_ =	shalt  }
0x7e: {  	_ =	shalt  }
0x7f: {  	_ =	shalt  }
0x80: {  	_ =	shalt  }
0x81: {  	_ =	shalt  }
0x82: {  	_ =	shalt  }
0x83: {  	_ =	shalt  }
0x84: {  	_ =	shalt  }
0x85: {  	_ =	shalt  }
0x86: {  	_ =	shalt  }
0x87: {  	_ =	shalt  }
.Lfunc_end0:
.L_simem_size_0:
called_computation_lowered:
.L_overlay_start_0:
0x88: {  	s2 =	sld [smem:$0x3FD9]  }
0x89: {  	s3 =	sld [smem:$0x3FFE];
	_ =	sdelay $0x1  }
0x8a: {  	s1 =	srdreg.scid  }
0x8b: {  	s0 =	sand.u32 $0x1, s1  }
0x8c: {  	s18 =	sshll.u32 s0, $0xA;
	s2 =	sadd.s32 s3, s2  }
0x8d: {  	s2 =	sadd.s32 s2, s18  }
0x8e: {  	[smem:$0x3FC6] =	sst s2  }
0x8f: {  	_ = 	snop  }
0x90: {  	s2 =	sld [smem:$0x3FC9]  }
0x91: {  	s19 =	sld [smem:$0x3FC8]  }
0x92: {  	s4 =	sld [smem:$0x3FD0];
	(tm) =	ssettm $0x1  }
0x93: {  	s5 =	sld [smem:$0x3FFB];
	_ =	sdelay $0x3  }
0x94: {  	_ =	strace s5  }
0x95: {  	s5 =	sld [smem:$0x3FFC];
	_ =	sdelay $0x3  }
0x96: {  	_ =	strace s5  }
0x97: {  	s5 =	sld [smem:$0x3FFD];
	_ =	sdelay $0x3  }
0x98: {  	_ =	strace s5  }
0x99: {  	_ =	strace $0x8FFFFFFF  }
0x9a: {  	s20 =	sld [smem:$0x3FDB];
	_ =	sdelay $0x1  }
0x9b: {  	s6 =	simm.s32 $_scs_section_size  }
0x9c: {  	s7 =	simm.s32 $_size__tile_overlayer_lowered;
	s8 =	simm.s32 $_tile_overlayer_lowered  }
0x9d: {  	s23 =	simm.s32 $0x1BFF;
	s22 =	sshll.u32 s8, $0x1;
	s5 =	sadd.s32 s6, s20  }
0x9e: {  	s9 =	simm.s32 $0x0;
	s21 =	sshll.u32 s7, $0x1;
	s7 =	sadd.s32 s22, s5  }
0x9f: {  	[timem:s9], [sflag:s23] =	dma.local [hbm:s7], s21  }
0xa0: {  	_ =	swait.ge [sflag:s23], s21  }
0xa1: {  	s6 =	ssub.s32 $0x0, s21;
	[sflag:s23] =	ssyncset.done $0x0  }
0xa2: {  	[sflag:s23] =	ssyncadd.s32 s6;
	_ =	sdelay $0x1  }
0xa3: {  	s24 =	simm.s32 $0x1B8B  }
0xa4: {  	_ =	swait.ge [sflag:s24], $0x1  }
0xa5: {  	[sflag:s24] =	ssyncset.done $0x0  }
0xa6: {  	s25 =	simm.s32 $0x1B8E;
	[sflag:s24] =	ssyncadd.s32 $0xFFFFFFFF  }
0xa7: {  	s26 =	simm.s32 $execute0_lowered;
	[smem:$0x3FD2] =	sst s25  }
0xa8: {  	s6 =	sshll.u32 s26, $0x1;
	_ =	strace $0x80000046;
	[dreg:$0x1] =	wrdreg $0xFFFFFFFF  }
0xa9: {  	s28 =	simm.s32 $_size_execute0_lowered;
	s5 =	sadd.s32 s5, s6;
	[dreg:$0x0] =	wrdreg $0x0  }
0xaa: {  	s6 =	sshll.u32 s28, $0x1;
	[dreg:$0x2] =	wrdreg s5  }
0xab: {  	[dreg:$0x3] =	wrdreg s6  }
0xac: {  	[dreg:$0x4] =	wrdreg $0xC0  }
0xad: {  	_ =	task [dreg:s9], $0x5FFFF  }
0xae: {  	[dreg:$0x1] =	wrdreg $0xFFFFFFFF  }
0xaf: {  	[dreg:$0x0] =	wrdreg $0x60  }
0xb0: {  	[dreg:$0x2] =	wrdreg s19  }
0xb1: {  	[dreg:$0x3] =	wrdreg s2  }
0xb2: {  	[dreg:$0x4] =	wrdreg s4  }
0xb3: {  	[dreg:$0x5] =	wrdreg $0x9  }
0xb4: {  	_ =	task.clear_ibuf [dreg:s9], $0x6FFFF;
	_ =	strace $0x90000046  }
0xb5: {  	s29 =	simm.s32 $0x9;
	_ =	strace $0x80000048  }
0xb6: {  	_ =	swait.ge [sflag:s29], $0x1  }
0xb7: {  	[sflag:s29] =	ssyncadd.s32 $0xFFFFFFFF  }
0xb8: {  	_ =	strace $0x90000048  }
0xb9: {  	_ =	sfence  }
0xba: {  	s30 =	sld [smem:$0x0];
	_ =	sdelay $0x2  }
0xbb: {  	s31 =	sshll.u32 s1, $0xD;
	s1 =	sshrl.u32 s1, $0x2  }
0xbc: {  	s3 =	sand.u32 $0x4000, s31;
	s1 =	sadd.s32 s1, s30  }
0xbd: {  	s0 =	sor.u32 s3, s0;
	s1 =	sshll.u32 s1, $0x11  }
0xbe: {  	s0 =	sor.u32 s1, s0  }
0xbf: {  	s0 =	sadd.s32 $0x8F2B, s0  }
0xc0: {  	[sflag:s0] =	ssyncadd.remote.s32 $0x1  }
0xc1: {  	_ =	sfence.sel $0xFFFF  }
0xc2: {  	[dreg:$0x0] =	wrdreg $0xFFFFFFFF;
	(pc) =	sbr.abs _section_cstart, $3  }
0xc3: {  	[dreg:$0x1] =	wrdreg $0xFFFFFFFF  }
0xc4: {  	_ =	task.clear_ibuf [dreg:s9], $0x2FFFF;
	_ =	strace $0x9FFFFFFF  }
0xc5: {  	(tm) =	ssettm $0x7FFFFFFF  }
tec
execute0_lowered:
.L_overlay_start_1:
0x0: {  	(tag) =	ssettag $0x1  }
0x1: {  	s6 =	rddreg [dreg:$0x0]  }
0x2: {  	s1 =	srdreg.scid;
	s2 =	rddreg [dreg:$0x1]  }
0x3: {  	s0 =	stileid.u32;
	s3 =	rddreg [dreg:$0x2]  }
0x4: {  	s5 =	simm.s32 $0x1;
	s4 =	simm.s32 $0x0;
	s18 =	simm.s32 $0x0  }
0x5: {  	s16 =	sand.u32 $0x1, s1;
	[smem:$0x7FF] =	sst s4;
	s10 =	sadd.s32 $0x40, s3  }
0x6: {  	s11 =	sadd.s32 $0x50, s3;
	s12 =	sadd.s32 $0x60, s3;
	s1 =	sor.u32 s16, s0  }
0x7: {  	s13 =	sadd.s32 $0x70, s3;
	p0 =	seq.s32 s16, $0x1;
	p1 =	seq.s32 s1, $0x0  }
0x8: {  	s7 =	ssub.s32 $0x2, s16;
	s14 =	sxor.u32 $0x1, s16;
	p0 =	por !p1, !p0  }
0x9: {  	v5 =	vmov s16;
	s16 =	simm.s32 $0x2;
	s1 =	rddreg [dreg:$0x3];
	p0 =	por !p0, !p0  }
.Ltmp0:
0xa: {  	s31 =	sshrl.u32 s7, $0x1;
	s5 =	simm.s32 @!p0 $0x0;
	(pc) =	sbr.rel .LBB2_1-.Ltmp0, $4  }
0xb: {  	v0 =	vimm.s32 $0x0;
	vm0 =	vcmask $0x1F10;
	_ =	strace $0x80000047;
	s15 =	ssub.s32 s7, s31;
	s8 =	ssub.s32 s0, s5  }
0xc: {  	vm14 =	vcmask $0x2F20;
	v3 =	vimm.s32 $0x1;
	vm1 =	vcmask $0x2F00;
	s7 =	sadd.s32 $0x10, s3;
	s15 =	smax.u32 s15, $0x1;
	s9 =	smul.u32 $0x3800, s8  }
0xd: {  	vm15 =	vcmask $0xF00;
	v1 =	vsel vm0, $0x1, v0;
	v2 =	vsel vm14, $0x1, v0;
	s5 =	simm.s32 $0x1;
	s17 =	sshll.u32 s8, $0x3;
	s8 =	sadd.s32 $0x20, s3  }
0xe: {  	v3 =	vsel vm1, $0x0, v3;
	v6 =	vsel vm15, $0x1, v0;
	v4 =	vmov s17;
	s17 =	simm.s32 $0x1C000;
	s6 =	sadd.s32 s6, s9;
	s9 =	sadd.s32 $0x30, s3  }
.LBB2_75:
0xf: {  	[sflag:s5] =	ssyncadd.s32 $0xFFFFC800  }
.LBB2_76:
0x10: {  	s18 =	sadd.s32 $0x1, s18  }
0x11: {  	p0 =	sne.s32 s18, s15  }
.Ltmp1:
0x12: {  	_ = 	snop;
	(pc) =	sbr.rel @!p0 .LBB2_77-.Ltmp1, $1  }
0x13: {  	_ =	sdelay $0x3  }
.LBB2_1:
0x14: {  	[tilespmem:s4], [sflag:$0x2] =	stream.linear.gather [hbm4b:s6+s4], $0x1C000, $0x38;
	[tilespmem:$0x1D000] =	vst v63  }
0x15: {  	_ =	swait.ge [sflag:s16], $0x1C000  }
0x16: {  	[sflag:s16] =	ssyncset.done $0x0  }
.Ltmp2:
0x17: {  	[sflag:s16] =	ssyncadd.s32 $0xFFFE4000;
	(pc) =	sbr.rel .LBB2_2-.Ltmp2, $4  }
0x18: {  	[tilespmem:s17], [sflag:$0x2] =	stream.linear.gather [hbm4b:s2+s4], $0x1000, $0x38;
	[tilespmem:$0x1D000] =	vst v63  }
0x19: {  	_ =	swait.ge [sflag:s16], $0x1000  }
0x1a: {  	[sflag:s16] =	ssyncset.done $0x0  }
0x1b: {  	s19 =	simm.s32 $0x0;
	s20 =	simm.s32 $0x0;
	[sflag:s16] =	ssyncadd.s32 $0xFFFFF000  }
.LBB2_71:
0x1c: {  	s20 =	sadd.s32 $0x1, s20  }
0x1d: {  	p0 =	sne.s32 s20, $0x100  }
.Ltmp3:
0x1e: {  	_ = 	snop;
	(pc) =	sbr.rel @!p0 .LBB2_72-.Ltmp3, $2  }
0x1f: {  	_ =	sdelay $0x2  }
0x20: {  	s19 =	sadd.s32 s19, s21  }
.LBB2_2:
0x21: {  	s21 =	sshll.u32 s20, $0x4  }
0x22: {  	s21 =	sand.u32 $0x3FFFFFF0, s21  }
0x23: {  	v7 =	vld [tilespmem:s21+$0x1C000];
	_ =	sdelay $0x4  }
0x24: {  	v7 =	vsub.s32 v7, v4  }
0x25: {  	vm0 =	vlt.u32 v7, $0x8  }
0x26: {  	v8 =	vsel vm0, $0x1, v0  }
0x27: {  	(xrf0) =	vadd.scan.msk.s32 $0xffff, v8;
	_ =	sdelay $0x5  }
0x28: {  	v8 =	vadd.s32 s19, v8;
	v9, _, _ =	vpop (xrf0)  }
0x29: {  	v8 =	vadd.s32 v9, v8  }
0x2a: {  	v8 =	vand.u32 $0x1, v8  }
0x2b: {  	vm1 =	veq.s32 v8, v5  }
0x2c: {  	vm0 =	vmand vm0, vm1  }
0x2d: {  	v8 =	vnsel vm0, $0x0, v1  }
0x2e: {  	(xrf0) =	vadd.scan.msk.s32 $0xffff, v8;
	v8 =	vnsel vm0, $0x0, v2  }
0x2f: {  	(xrf0) =	vadd.scan.msk.s32 $0xffff, v8;
	v8 =	vnsel vm0, $0x0, v3  }
0x30: {  	(xrf0) =	vadd.scan.msk.s32 $0xffff, v8;
	v8 =	vsel vm0, $0x1, v0  }
0x31: {  	(xrf0) =	vadd.scan.msk.s32 $0xffff, v8;
	_ =	sdelay $0x2  }
0x32: {  	(v2sf) =	vpush v9, $0xF;
	v8, _, _ =	vpop (xrf0)  }
0x33: {  	v63, _, _ =	vpop (xrf0);
	(v2sf) =	vpush v8, $0xF  }
0x34: {  	v8, _, _ =	vpop (xrf0);
	(v2sf) =	vpush v63, $0xF  }
0x35: {  	(v2sf) =	vpush v8, $0xF;
	v8, _, _ =	vpop (xrf0)  }
0x36: {  	(v2sf) =	vpush v8, $0xF;
	_ =	sdelay $0xa  }
0x37: {  	s21 =	spop (v2sf)  }
0x38: {  	s24 =	spop (v2sf)  }
0x39: {  	s23 =	spop (v2sf)  }
0x3a: {  	s22 =	spop (v2sf)  }
0x3b: {  	s25 =	spop (v2sf)  }
0x3c: {  	p0 =	slt.s32 s25, $0x1  }
.Ltmp4:
0x3d: {  	_ = 	snop;
	(pc) =	sbr.rel @p0 .LBB2_71-.Ltmp4, $1  }
0x3e: {  	_ =	sdelay $0x3  }
0x3f: {  	v8 =	vnsel vm0, $0x0, v6  }
0x40: {  	(xrf0) =	vadd.scan.msk.s32 $0xffff, v8;
	_ =	sdelay $0x5  }
0x41: {  	v8, _, _ =	vpop (xrf0)  }
0x42: {  	(v2sf) =	vpush v8, $0xF;
	_ =	sdelay $0xe  }
0x43: {  	s25 =	spop (v2sf)  }
0x44: {  	p0 =	slt.s32 s25, $0x1  }
.Ltmp5:
0x45: {  	_ = 	snop;
	(pc) =	sbr.rel @p0 .LBB2_20-.Ltmp5, $2  }
0x46: {  	_ =	sdelay $0x2  }
0x47: {  	v7 =	vnsel vm0, $0xFFFFFFFF, v7  }
0x48: {  	(v2sf) =	vpush v7, $0x0;
	_ =	sdelay $0xe  }
0x49: {  	s25 =	spop (v2sf)  }
0x4a: {  	p0 =	slt.s32 s25, $0x0  }
.Ltmp6:
0x4b: {  	_ = 	snop;
	(pc) =	sbr.rel @p0 .LBB2_8-.Ltmp6, $1  }
0x4c: {  	_ =	sdelay $0x3  }
0x4d: {  	s26 =	sshrl.u32 s25, $0x3  }
0x4e: {  	s26 =	smul.u32 $0x70000, s26  }
0x4f: {  	s28 =	smul.u32 $0x7000, s20;
	s31 =	sshll.u32 s25, $0x7  }
0x50: {  	s29 =	sand.u32 $0x380, s31;
	s26 =	sshra.s32 s26, $0x2  }
0x51: {  	s25 =	sadd.s32 s3, s28;
	s26 =	sor.u32 s29, s26  }
0x52: {  	s28 =	simm.s32 $0x80;
	s30 =	sadd.s32 $0x0, s25;
	s29 =	sadd.s32 $0x400, s26  }
.LBB2_6:
0x53: {  	[hbm4b:s30+s4] =	stream.linear.scatter [tilespmem:s26], [sflag:$0x1], $0x80, $0x38;
	[tilespmem:$0x1D000] =	vst v63  }
0x54: {  	s30 =	smov.u32 s28;
	s26 =	smov.u32 s29;
	p0 =	sne.s32 s28, $0x3780  }
.Ltmp7:
0x55: {  	s28 =	sadd.s32 $0x80, s28;
	(pc) =	sbr.rel @p0 .LBB2_6-.Ltmp7, $2  }
0x56: {  	_ =	sdelay $0x2  }
0x57: {  	s29 =	sadd.s32 $0x400, s29;
	s30 =	sadd.s32 s30, s25  }
0x58: {  	[hbm4b:s30+s4] =	stream.linear.scatter [tilespmem:s26], [sflag:$0x1], $0x80, $0x38;
	[tilespmem:$0x1D000] =	vst v63  }
.LBB2_8:
0x59: {  	(v2sf) =	vpush v7, $0x1;
	_ =	sdelay $0xe  }
0x5a: {  	s25 =	spop (v2sf)  }
0x5b: {  	p0 =	slt.s32 s25, $0x0  }
.Ltmp8:
0x5c: {  	_ = 	snop;
	(pc) =	sbr.rel @p0 .LBB2_12-.Ltmp8, $1  }
0x5d: {  	_ =	sdelay $0x3  }
0x5e: {  	s26 =	sshrl.u32 s25, $0x3  }
0x5f: {  	s26 =	smul.u32 $0x70000, s26  }
0x60: {  	s28 =	smul.u32 $0x7000, s20;
	s31 =	sshll.u32 s25, $0x7  }
0x61: {  	s29 =	sand.u32 $0x380, s31;
	s26 =	sshra.s32 s26, $0x2  }
0x62: {  	s25 =	sadd.s32 s28, s7;
	s26 =	sor.u32 s29, s26  }
0x63: {  	s28 =	simm.s32 $0x80;
	s30 =	sadd.s32 $0x0, s25;
	s29 =	sadd.s32 $0x400, s26  }
.LBB2_10:
0x64: {  	[hbm4b:s30+s4] =	stream.linear.scatter [tilespmem:s26], [sflag:$0x1], $0x80, $0x38;
	[tilespmem:$0x1D000] =	vst v63  }
0x65: {  	s30 =	smov.u32 s28;
	s26 =	smov.u32 s29;
	p0 =	sne.s32 s28, $0x3780  }
.Ltmp9:
0x66: {  	s28 =	sadd.s32 $0x80, s28;
	(pc) =	sbr.rel @p0 .LBB2_10-.Ltmp9, $2  }
0x67: {  	_ =	sdelay $0x2  }
0x68: {  	s29 =	sadd.s32 $0x400, s29;
	s30 =	sadd.s32 s30, s25  }
0x69: {  	[hbm4b:s30+s4] =	stream.linear.scatter [tilespmem:s26], [sflag:$0x1], $0x80, $0x38;
	[tilespmem:$0x1D000] =	vst v63  }
.LBB2_12:
0x6a: {  	(v2sf) =	vpush v7, $0x2;
	_ =	sdelay $0xe  }
0x6b: {  	s25 =	spop (v2sf)  }
0x6c: {  	p0 =	slt.s32 s25, $0x0  }
.Ltmp10:
0x6d: {  	_ = 	snop;
	(pc) =	sbr.rel @p0 .LBB2_16-.Ltmp10, $1  }
0x6e: {  	_ =	sdelay $0x3  }
0x6f: {  	s26 =	sshrl.u32 s25, $0x3  }
0x70: {  	s26 =	smul.u32 $0x70000, s26  }
0x71: {  	s28 =	smul.u32 $0x7000, s20;
	s31 =	sshll.u32 s25, $0x7  }
0x72: {  	s29 =	sand.u32 $0x380, s31;
	s26 =	sshra.s32 s26, $0x2  }
0x73: {  	s25 =	sadd.s32 s28, s8;
	s26 =	sor.u32 s29, s26  }
0x74: {  	s28 =	simm.s32 $0x80;
	s30 =	sadd.s32 $0x0, s25;
	s29 =	sadd.s32 $0x400, s26  }
.LBB2_14:
0x75: {  	[hbm4b:s30+s4] =	stream.linear.scatter [tilespmem:s26], [sflag:$0x1], $0x80, $0x38;
	[tilespmem:$0x1D000] =	vst v63  }
0x76: {  	s30 =	smov.u32 s28;
	s26 =	smov.u32 s29;
	p0 =	sne.s32 s28, $0x3780  }
.Ltmp11:
0x77: {  	s28 =	sadd.s32 $0x80, s28;
	(pc) =	sbr.rel @p0 .LBB2_14-.Ltmp11, $2  }
0x78: {  	_ =	sdelay $0x2  }
0x79: {  	s29 =	sadd.s32 $0x400, s29;
	s30 =	sadd.s32 s30, s25  }
0x7a: {  	[hbm4b:s30+s4] =	stream.linear.scatter [tilespmem:s26], [sflag:$0x1], $0x80, $0x38;
	[tilespmem:$0x1D000] =	vst v63  }
.LBB2_16:
0x7b: {  	(v2sf) =	vpush v7, $0x3;
	_ =	sdelay $0xe  }
0x7c: {  	s25 =	spop (v2sf)  }
0x7d: {  	p0 =	slt.s32 s25, $0x0  }
.Ltmp12:
0x7e: {  	_ = 	snop;
	(pc) =	sbr.rel @p0 .LBB2_20-.Ltmp12, $1  }
0x7f: {  	_ =	sdelay $0x3  }
0x80: {  	s26 =	sshrl.u32 s25, $0x3  }
0x81: {  	s26 =	smul.u32 $0x70000, s26  }
0x82: {  	s28 =	smul.u32 $0x7000, s20;
	s31 =	sshll.u32 s25, $0x7  }
0x83: {  	s29 =	sand.u32 $0x380, s31;
	s26 =	sshra.s32 s26, $0x2  }
0x84: {  	s25 =	sadd.s32 s28, s9;
	s26 =	sor.u32 s29, s26  }
0x85: {  	s28 =	simm.s32 $0x80;
	s30 =	sadd.s32 $0x0, s25;
	s29 =	sadd.s32 $0x400, s26  }
.LBB2_18:
0x86: {  	[hbm4b:s30+s4] =	stream.linear.scatter [tilespmem:s26], [sflag:$0x1], $0x80, $0x38;
	[tilespmem:$0x1D000] =	vst v63  }
0x87: {  	s30 =	smov.u32 s28;
	s26 =	smov.u32 s29;
	p0 =	sne.s32 s28, $0x3780  }
.Ltmp13:
0x88: {  	s28 =	sadd.s32 $0x80, s28;
	(pc) =	sbr.rel @p0 .LBB2_18-.Ltmp13, $2  }
0x89: {  	_ =	sdelay $0x2  }
0x8a: {  	s29 =	sadd.s32 $0x400, s29;
	s30 =	sadd.s32 s30, s25  }
0x8b: {  	[hbm4b:s30+s4] =	stream.linear.scatter [tilespmem:s26], [sflag:$0x1], $0x80, $0x38;
	[tilespmem:$0x1D000] =	vst v63  }
.LBB2_20:
0x8c: {  	p0 =	slt.s32 s24, $0x1  }
.Ltmp14:
0x8d: {  	_ = 	snop;
	(pc) =	sbr.rel @p0 .LBB2_37-.Ltmp14, $1  }
0x8e: {  	_ =	sdelay $0x3  }
0x8f: {  	(v2sf) =	vpush v7, $0x4;
	_ =	sdelay $0xe  }
0x90: {  	s25 =	spop (v2sf)  }
0x91: {  	p0 =	slt.s32 s25, $0x0  }
.Ltmp15:
0x92: {  	_ = 	snop;
	(pc) =	sbr.rel @p0 .LBB2_25-.Ltmp15, $2  }
0x93: {  	_ =	sdelay $0x2  }
0x94: {  	s24 =	smul.u32 $0x7000, s20  }
0x95: {  	s26 =	sshrl.u32 s25, $0x3  }
0x96: {  	s26 =	smul.u32 $0x70000, s26  }
0x97: {  	s31 =	sshll.u32 s25, $0x7  }
0x98: {  	s28 =	sand.u32 $0x380, s31;
	s26 =	sshra.s32 s26, $0x2  }
0x99: {  	s25 =	sadd.s32 s24, s10;
	s26 =	sor.u32 s28, s26  }
0x9a: {  	s30 =	sadd.s32 $0x0, s25;
	s28 =	simm.s32 $0x80;
	s29 =	sadd.s32 $0x400, s26  }
.LBB2_23:
0x9b: {  	[hbm4b:s30+s4] =	stream.linear.scatter [tilespmem:s26], [sflag:$0x1], $0x80, $0x38;
	[tilespmem:$0x1D000] =	vst v63  }
0x9c: {  	s30 =	smov.u32 s28;
	s26 =	smov.u32 s29;
	p0 =	sne.s32 s28, $0x3780  }
.Ltmp16:
0x9d: {  	s28 =	sadd.s32 $0x80, s28;
	(pc) =	sbr.rel @p0 .LBB2_23-.Ltmp16, $2  }
0x9e: {  	_ =	sdelay $0x2  }
0x9f: {  	s29 =	sadd.s32 $0x400, s29;
	s30 =	sadd.s32 s30, s25  }
0xa0: {  	[hbm4b:s30+s4] =	stream.linear.scatter [tilespmem:s26], [sflag:$0x1], $0x80, $0x38;
	[tilespmem:$0x1D000] =	vst v63  }
.LBB2_25:
0xa1: {  	(v2sf) =	vpush v7, $0x5;
	_ =	sdelay $0xe  }
0xa2: {  	s25 =	spop (v2sf)  }
0xa3: {  	p0 =	slt.s32 s25, $0x0  }
.Ltmp17:
0xa4: {  	_ = 	snop;
	(pc) =	sbr.rel @p0 .LBB2_29-.Ltmp17, $1  }
0xa5: {  	_ =	sdelay $0x3  }
0xa6: {  	s26 =	sshrl.u32 s25, $0x3  }
0xa7: {  	s26 =	smul.u32 $0x70000, s26  }
0xa8: {  	s31 =	sshll.u32 s25, $0x7  }
0xa9: {  	s28 =	sand.u32 $0x380, s31;
	s26 =	sshra.s32 s26, $0x2  }
0xaa: {  	s25 =	sadd.s32 s24, s11;
	s26 =	sor.u32 s28, s26  }
0xab: {  	s30 =	sadd.s32 $0x0, s25;
	s28 =	simm.s32 $0x80;
	s29 =	sadd.s32 $0x400, s26  }
.LBB2_27:
0xac: {  	[hbm4b:s30+s4] =	stream.linear.scatter [tilespmem:s26], [sflag:$0x1], $0x80, $0x38;
	[tilespmem:$0x1D000] =	vst v63  }
0xad: {  	s30 =	smov.u32 s28;
	s26 =	smov.u32 s29;
	p0 =	sne.s32 s28, $0x3780  }
.Ltmp18:
0xae: {  	s28 =	sadd.s32 $0x80, s28;
	(pc) =	sbr.rel @p0 .LBB2_27-.Ltmp18, $2  }
0xaf: {  	_ =	sdelay $0x2  }
0xb0: {  	s29 =	sadd.s32 $0x400, s29;
	s30 =	sadd.s32 s30, s25  }
0xb1: {  	[hbm4b:s30+s4] =	stream.linear.scatter [tilespmem:s26], [sflag:$0x1], $0x80, $0x38;
	[tilespmem:$0x1D000] =	vst v63  }
.LBB2_29:
0xb2: {  	(v2sf) =	vpush v7, $0x6;
	_ =	sdelay $0xe  }
0xb3: {  	s25 =	spop (v2sf)  }
0xb4: {  	p0 =	slt.s32 s25, $0x0  }
.Ltmp19:
0xb5: {  	_ = 	snop;
	(pc) =	sbr.rel @p0 .LBB2_33-.Ltmp19, $1  }
0xb6: {  	_ =	sdelay $0x3  }
0xb7: {  	s26 =	sshrl.u32 s25, $0x3  }
0xb8: {  	s26 =	smul.u32 $0x70000, s26  }
0xb9: {  	s31 =	sshll.u32 s25, $0x7  }
0xba: {  	s28 =	sand.u32 $0x380, s31;
	s26 =	sshra.s32 s26, $0x2  }
0xbb: {  	s25 =	sadd.s32 s24, s12;
	s26 =	sor.u32 s28, s26  }
0xbc: {  	s30 =	sadd.s32 $0x0, s25;
	s28 =	simm.s32 $0x80;
	s29 =	sadd.s32 $0x400, s26  }
.LBB2_31:
0xbd: {  	[hbm4b:s30+s4] =	stream.linear.scatter [tilespmem:s26], [sflag:$0x1], $0x80, $0x38;
	[tilespmem:$0x1D000] =	vst v63  }
0xbe: {  	s30 =	smov.u32 s28;
	s26 =	smov.u32 s29;
	p0 =	sne.s32 s28, $0x3780  }
.Ltmp20:
0xbf: {  	s28 =	sadd.s32 $0x80, s28;
	(pc) =	sbr.rel @p0 .LBB2_31-.Ltmp20, $2  }
0xc0: {  	_ =	sdelay $0x2  }
0xc1: {  	s29 =	sadd.s32 $0x400, s29;
	s30 =	sadd.s32 s30, s25  }
0xc2: {  	[hbm4b:s30+s4] =	stream.linear.scatter [tilespmem:s26], [sflag:$0x1], $0x80, $0x38;
	[tilespmem:$0x1D000] =	vst v63  }
.LBB2_33:
0xc3: {  	(v2sf) =	vpush v7, $0x7;
	_ =	sdelay $0xe  }
0xc4: {  	s25 =	spop (v2sf)  }
0xc5: {  	p0 =	slt.s32 s25, $0x0  }
.Ltmp21:
0xc6: {  	_ = 	snop;
	(pc) =	sbr.rel @p0 .LBB2_37-.Ltmp21, $1  }
0xc7: {  	_ =	sdelay $0x3  }
0xc8: {  	s26 =	sshrl.u32 s25, $0x3  }
0xc9: {  	s26 =	smul.u32 $0x70000, s26  }
0xca: {  	s31 =	sshll.u32 s25, $0x7  }
0xcb: {  	s25 =	sand.u32 $0x380, s31;
	s26 =	sshra.s32 s26, $0x2  }
0xcc: {  	s24 =	sadd.s32 s24, s13;
	s25 =	sor.u32 s25, s26  }
0xcd: {  	s29 =	sadd.s32 $0x0, s24;
	s26 =	simm.s32 $0x80;
	s28 =	sadd.s32 $0x400, s25  }
.LBB2_35:
0xce: {  	[hbm4b:s29+s4] =	stream.linear.scatter [tilespmem:s25], [sflag:$0x1], $0x80, $0x38;
	[tilespmem:$0x1D000] =	vst v63  }
0xcf: {  	s29 =	smov.u32 s26;
	s25 =	smov.u32 s28;
	p0 =	sne.s32 s26, $0x3780  }
.Ltmp22:
0xd0: {  	s26 =	sadd.s32 $0x80, s26;
	(pc) =	sbr.rel @p0 .LBB2_35-.Ltmp22, $2  }
0xd1: {  	_ =	sdelay $0x2  }
0xd2: {  	s28 =	sadd.s32 $0x400, s28;
	s29 =	sadd.s32 s29, s24  }
0xd3: {  	[hbm4b:s29+s4] =	stream.linear.scatter [tilespmem:s25], [sflag:$0x1], $0x80, $0x38;
	[tilespmem:$0x1D000] =	vst v63  }
.LBB2_37:
0xd4: {  	p0 =	slt.s32 s23, $0x1  }
.Ltmp23:
0xd5: {  	_ = 	snop;
	(pc) =	sbr.rel @p0 .LBB2_54-.Ltmp23, $1  }
0xd6: {  	_ =	sdelay $0x3  }
0xd7: {  	(v2sf) =	vpush v7, $0x8;
	_ =	sdelay $0xe  }
0xd8: {  	s23 =	spop (v2sf)  }
0xd9: {  	p0 =	slt.s32 s23, $0x0  }
.Ltmp24:
0xda: {  	_ = 	snop;
	(pc) =	sbr.rel @p0 .LBB2_42-.Ltmp24, $1  }
0xdb: {  	_ =	sdelay $0x3  }
0xdc: {  	s24 =	smul.u32 $0x38000, s20;
	s25 =	sshrl.u32 s23, $0x3  }
0xdd: {  	s25 =	smul.u32 $0x70000, s25  }
0xde: {  	s31 =	sshll.u32 s23, $0x7;
	s24 =	sshrl.u32 s24, $0x3  }
0xdf: {  	s26 =	sand.u32 $0x380, s31;
	s24 =	sadd.s32 s3, s24;
	s25 =	sshra.s32 s25, $0x2  }
0xe0: {  	s23 =	sadd.s32 $0x3800, s24;
	s24 =	sor.u32 s26, s25  }
0xe1: {  	s25 =	simm.s32 $0x80;
	s28 =	sadd.s32 $0x0, s23;
	s26 =	sadd.s32 $0x400, s24  }
.LBB2_40:
0xe2: {  	[hbm4b:s28+s4] =	stream.linear.scatter [tilespmem:s24], [sflag:$0x1], $0x80, $0x38;
	[tilespmem:$0x1D000] =	vst v63  }
0xe3: {  	s28 =	smov.u32 s25;
	s24 =	smov.u32 s26;
	p0 =	sne.s32 s25, $0x3780  }
.Ltmp25:
0xe4: {  	s25 =	sadd.s32 $0x80, s25;
	(pc) =	sbr.rel @p0 .LBB2_40-.Ltmp25, $2  }
0xe5: {  	_ =	sdelay $0x2  }
0xe6: {  	s26 =	sadd.s32 $0x400, s26;
	s28 =	sadd.s32 s28, s23  }
0xe7: {  	[hbm4b:s28+s4] =	stream.linear.scatter [tilespmem:s24], [sflag:$0x1], $0x80, $0x38;
	[tilespmem:$0x1D000] =	vst v63  }
.LBB2_42:
0xe8: {  	(v2sf) =	vpush v7, $0x9;
	_ =	sdelay $0xe  }
0xe9: {  	s23 =	spop (v2sf)  }
0xea: {  	p0 =	slt.s32 s23, $0x0  }
.Ltmp26:
0xeb: {  	_ = 	snop;
	(pc) =	sbr.rel @p0 .LBB2_46-.Ltmp26, $1  }
0xec: {  	_ =	sdelay $0x3  }
0xed: {  	s24 =	smul.u32 $0x38000, s20;
	s25 =	sshrl.u32 s23, $0x3  }
0xee: {  	s25 =	smul.u32 $0x70000, s25  }
0xef: {  	s31 =	sshll.u32 s23, $0x7;
	s24 =	sshrl.u32 s24, $0x3  }
0xf0: {  	s26 =	sand.u32 $0x380, s31;
	s24 =	sadd.s32 s3, s24;
	s25 =	sshra.s32 s25, $0x2  }
0xf1: {  	s23 =	sadd.s32 $0x3810, s24;
	s24 =	sor.u32 s26, s25  }
0xf2: {  	s25 =	simm.s32 $0x80;
	s28 =	sadd.s32 $0x0, s23;
	s26 =	sadd.s32 $0x400, s24  }
.LBB2_44:
0xf3: {  	[hbm4b:s28+s4] =	stream.linear.scatter [tilespmem:s24], [sflag:$0x1], $0x80, $0x38;
	[tilespmem:$0x1D000] =	vst v63  }
0xf4: {  	s28 =	smov.u32 s25;
	s24 =	smov.u32 s26;
	p0 =	sne.s32 s25, $0x3780  }
.Ltmp27:
0xf5: {  	s25 =	sadd.s32 $0x80, s25;
	(pc) =	sbr.rel @p0 .LBB2_44-.Ltmp27, $2  }
0xf6: {  	_ =	sdelay $0x2  }
0xf7: {  	s26 =	sadd.s32 $0x400, s26;
	s28 =	sadd.s32 s28, s23  }
0xf8: {  	[hbm4b:s28+s4] =	stream.linear.scatter [tilespmem:s24], [sflag:$0x1], $0x80, $0x38;
	[tilespmem:$0x1D000] =	vst v63  }
.LBB2_46:
0xf9: {  	(v2sf) =	vpush v7, $0xA;
	_ =	sdelay $0xe  }
0xfa: {  	s23 =	spop (v2sf)  }
0xfb: {  	p0 =	slt.s32 s23, $0x0  }
.Ltmp28:
0xfc: {  	_ = 	snop;
	(pc) =	sbr.rel @p0 .LBB2_50-.Ltmp28, $1  }
0xfd: {  	_ =	sdelay $0x3  }
0xfe: {  	s24 =	smul.u32 $0x38000, s20;
	s25 =	sshrl.u32 s23, $0x3  }
0xff: {  	s25 =	smul.u32 $0x70000, s25  }
0x100: {  	s31 =	sshll.u32 s23, $0x7;
	s24 =	sshrl.u32 s24, $0x3  }
0x101: {  	s26 =	sand.u32 $0x380, s31;
	s24 =	sadd.s32 s3, s24;
	s25 =	sshra.s32 s25, $0x2  }
0x102: {  	s23 =	sadd.s32 $0x3820, s24;
	s24 =	sor.u32 s26, s25  }
0x103: {  	s25 =	simm.s32 $0x80;
	s28 =	sadd.s32 $0x0, s23;
	s26 =	sadd.s32 $0x400, s24  }
.LBB2_48:
0x104: {  	[hbm4b:s28+s4] =	stream.linear.scatter [tilespmem:s24], [sflag:$0x1], $0x80, $0x38;
	[tilespmem:$0x1D000] =	vst v63  }
0x105: {  	s28 =	smov.u32 s25;
	s24 =	smov.u32 s26;
	p0 =	sne.s32 s25, $0x3780  }
.Ltmp29:
0x106: {  	s25 =	sadd.s32 $0x80, s25;
	(pc) =	sbr.rel @p0 .LBB2_48-.Ltmp29, $2  }
0x107: {  	_ =	sdelay $0x2  }
0x108: {  	s26 =	sadd.s32 $0x400, s26;
	s28 =	sadd.s32 s28, s23  }
0x109: {  	[hbm4b:s28+s4] =	stream.linear.scatter [tilespmem:s24], [sflag:$0x1], $0x80, $0x38;
	[tilespmem:$0x1D000] =	vst v63  }
.LBB2_50:
0x10a: {  	(v2sf) =	vpush v7, $0xB;
	_ =	sdelay $0xe  }
0x10b: {  	s23 =	spop (v2sf)  }
0x10c: {  	p0 =	slt.s32 s23, $0x0  }
.Ltmp30:
0x10d: {  	_ = 	snop;
	(pc) =	sbr.rel @p0 .LBB2_54-.Ltmp30, $1  }
0x10e: {  	_ =	sdelay $0x3  }
0x10f: {  	s24 =	smul.u32 $0x38000, s20;
	s25 =	sshrl.u32 s23, $0x3  }
0x110: {  	s25 =	smul.u32 $0x70000, s25  }
0x111: {  	s31 =	sshll.u32 s23, $0x7;
	s24 =	sshrl.u32 s24, $0x3  }
0x112: {  	s26 =	sand.u32 $0x380, s31;
	s24 =	sadd.s32 s3, s24;
	s25 =	sshra.s32 s25, $0x2  }
0x113: {  	s23 =	sadd.s32 $0x3830, s24;
	s24 =	sor.u32 s26, s25  }
0x114: {  	s25 =	simm.s32 $0x80;
	s28 =	sadd.s32 $0x0, s23;
	s26 =	sadd.s32 $0x400, s24  }
.LBB2_52:
0x115: {  	[hbm4b:s28+s4] =	stream.linear.scatter [tilespmem:s24], [sflag:$0x1], $0x80, $0x38;
	[tilespmem:$0x1D000] =	vst v63  }
0x116: {  	s28 =	smov.u32 s25;
	s24 =	smov.u32 s26;
	p0 =	sne.s32 s25, $0x3780  }
.Ltmp31:
0x117: {  	s25 =	sadd.s32 $0x80, s25;
	(pc) =	sbr.rel @p0 .LBB2_52-.Ltmp31, $2  }
0x118: {  	_ =	sdelay $0x2  }
0x119: {  	s26 =	sadd.s32 $0x400, s26;
	s28 =	sadd.s32 s28, s23  }
0x11a: {  	[hbm4b:s28+s4] =	stream.linear.scatter [tilespmem:s24], [sflag:$0x1], $0x80, $0x38;
	[tilespmem:$0x1D000] =	vst v63  }
.LBB2_54:
0x11b: {  	p0 =	slt.s32 s22, $0x1  }
.Ltmp32:
0x11c: {  	_ = 	snop;
	(pc) =	sbr.rel @p0 .LBB2_71-.Ltmp32, $1  }
0x11d: {  	_ =	sdelay $0x3  }
0x11e: {  	(v2sf) =	vpush v7, $0xC;
	_ =	sdelay $0xe  }
0x11f: {  	s23 =	spop (v2sf)  }
0x120: {  	p0 =	slt.s32 s23, $0x0  }
.Ltmp33:
0x121: {  	_ = 	snop;
	(pc) =	sbr.rel @p0 .LBB2_59-.Ltmp33, $3  }
0x122: {  	_ = 	snop  }
0x123: {  	s22 =	smul.u32 $0x38000, s20;
	_ =	sdelay $0x1  }
0x124: {  	s22 =	sshrl.u32 s22, $0x3  }
0x125: {  	s24 =	sshrl.u32 s23, $0x3  }
0x126: {  	s24 =	smul.u32 $0x70000, s24  }
0x127: {  	s31 =	sshll.u32 s23, $0x7  }
0x128: {  	s25 =	sadd.s32 s3, s22;
	s26 =	sand.u32 $0x380, s31;
	s24 =	sshra.s32 s24, $0x2  }
0x129: {  	s23 =	sadd.s32 $0x3840, s25;
	s24 =	sor.u32 s26, s24  }
0x12a: {  	s25 =	simm.s32 $0x80;
	s28 =	sadd.s32 $0x0, s23;
	s26 =	sadd.s32 $0x400, s24  }
.LBB2_57:
0x12b: {  	[hbm4b:s28+s4] =	stream.linear.scatter [tilespmem:s24], [sflag:$0x1], $0x80, $0x38;
	[tilespmem:$0x1D000] =	vst v63  }
0x12c: {  	s28 =	smov.u32 s25;
	s24 =	smov.u32 s26;
	p0 =	sne.s32 s25, $0x3780  }
.Ltmp34:
0x12d: {  	s25 =	sadd.s32 $0x80, s25;
	(pc) =	sbr.rel @p0 .LBB2_57-.Ltmp34, $2  }
0x12e: {  	_ =	sdelay $0x2  }
0x12f: {  	s26 =	sadd.s32 $0x400, s26;
	s28 =	sadd.s32 s28, s23  }
0x130: {  	[hbm4b:s28+s4] =	stream.linear.scatter [tilespmem:s24], [sflag:$0x1], $0x80, $0x38;
	[tilespmem:$0x1D000] =	vst v63  }
.LBB2_59:
0x131: {  	(v2sf) =	vpush v7, $0xD;
	_ =	sdelay $0xe  }
0x132: {  	s23 =	spop (v2sf)  }
0x133: {  	p0 =	slt.s32 s23, $0x0  }
.Ltmp35:
0x134: {  	_ = 	snop;
	(pc) =	sbr.rel @p0 .LBB2_63-.Ltmp35, $1  }
0x135: {  	_ =	sdelay $0x3  }
0x136: {  	s24 =	sshrl.u32 s23, $0x3  }
0x137: {  	s24 =	smul.u32 $0x70000, s24  }
0x138: {  	s31 =	sshll.u32 s23, $0x7  }
0x139: {  	s25 =	sadd.s32 s3, s22;
	s26 =	sand.u32 $0x380, s31;
	s24 =	sshra.s32 s24, $0x2  }
0x13a: {  	s23 =	sadd.s32 $0x3850, s25;
	s24 =	sor.u32 s26, s24  }
0x13b: {  	s25 =	simm.s32 $0x80;
	s28 =	sadd.s32 $0x0, s23;
	s26 =	sadd.s32 $0x400, s24  }
.LBB2_61:
0x13c: {  	[hbm4b:s28+s4] =	stream.linear.scatter [tilespmem:s24], [sflag:$0x1], $0x80, $0x38;
	[tilespmem:$0x1D000] =	vst v63  }
0x13d: {  	s28 =	smov.u32 s25;
	s24 =	smov.u32 s26;
	p0 =	sne.s32 s25, $0x3780  }
.Ltmp36:
0x13e: {  	s25 =	sadd.s32 $0x80, s25;
	(pc) =	sbr.rel @p0 .LBB2_61-.Ltmp36, $2  }
0x13f: {  	_ =	sdelay $0x2  }
0x140: {  	s26 =	sadd.s32 $0x400, s26;
	s28 =	sadd.s32 s28, s23  }
0x141: {  	[hbm4b:s28+s4] =	stream.linear.scatter [tilespmem:s24], [sflag:$0x1], $0x80, $0x38;
	[tilespmem:$0x1D000] =	vst v63  }
.LBB2_63:
0x142: {  	(v2sf) =	vpush v7, $0xE;
	_ =	sdelay $0xe  }
0x143: {  	s23 =	spop (v2sf)  }
0x144: {  	p0 =	slt.s32 s23, $0x0  }
.Ltmp37:
0x145: {  	_ = 	snop;
	(pc) =	sbr.rel @p0 .LBB2_67-.Ltmp37, $1  }
0x146: {  	_ =	sdelay $0x3  }
0x147: {  	s24 =	sshrl.u32 s23, $0x3  }
0x148: {  	s24 =	smul.u32 $0x70000, s24  }
0x149: {  	s31 =	sshll.u32 s23, $0x7  }
0x14a: {  	s25 =	sadd.s32 s3, s22;
	s26 =	sand.u32 $0x380, s31;
	s24 =	sshra.s32 s24, $0x2  }
0x14b: {  	s23 =	sadd.s32 $0x3860, s25;
	s24 =	sor.u32 s26, s24  }
0x14c: {  	s25 =	simm.s32 $0x80;
	s28 =	sadd.s32 $0x0, s23;
	s26 =	sadd.s32 $0x400, s24  }
.LBB2_65:
0x14d: {  	[hbm4b:s28+s4] =	stream.linear.scatter [tilespmem:s24], [sflag:$0x1], $0x80, $0x38;
	[tilespmem:$0x1D000] =	vst v63  }
0x14e: {  	s28 =	smov.u32 s25;
	s24 =	smov.u32 s26;
	p0 =	sne.s32 s25, $0x3780  }
.Ltmp38:
0x14f: {  	s25 =	sadd.s32 $0x80, s25;
	(pc) =	sbr.rel @p0 .LBB2_65-.Ltmp38, $2  }
0x150: {  	_ =	sdelay $0x2  }
0x151: {  	s26 =	sadd.s32 $0x400, s26;
	s28 =	sadd.s32 s28, s23  }
0x152: {  	[hbm4b:s28+s4] =	stream.linear.scatter [tilespmem:s24], [sflag:$0x1], $0x80, $0x38;
	[tilespmem:$0x1D000] =	vst v63  }
.LBB2_67:
0x153: {  	(v2sf) =	vpush v7, $0xF;
	_ =	sdelay $0xe  }
0x154: {  	s23 =	spop (v2sf)  }
0x155: {  	p0 =	slt.s32 s23, $0x0  }
.Ltmp39:
0x156: {  	_ = 	snop;
	(pc) =	sbr.rel @p0 .LBB2_71-.Ltmp39, $1  }
0x157: {  	_ =	sdelay $0x3  }
0x158: {  	s24 =	sshrl.u32 s23, $0x3  }
0x159: {  	s24 =	smul.u32 $0x70000, s24  }
0x15a: {  	s31 =	sshll.u32 s23, $0x7  }
0x15b: {  	s22 =	sadd.s32 s3, s22;
	s23 =	sand.u32 $0x380, s31;
	s24 =	sshra.s32 s24, $0x2  }
0x15c: {  	s22 =	sadd.s32 $0x3870, s22;
	s23 =	sor.u32 s23, s24  }
0x15d: {  	s26 =	sadd.s32 $0x0, s22;
	s24 =	simm.s32 $0x80;
	s25 =	sadd.s32 $0x400, s23  }
.LBB2_69:
0x15e: {  	[hbm4b:s26+s4] =	stream.linear.scatter [tilespmem:s23], [sflag:$0x1], $0x80, $0x38;
	[tilespmem:$0x1D000] =	vst v63  }
0x15f: {  	s26 =	smov.u32 s24;
	s23 =	smov.u32 s25;
	p0 =	sne.s32 s24, $0x3780  }
.Ltmp40:
0x160: {  	s24 =	sadd.s32 $0x80, s24;
	(pc) =	sbr.rel @p0 .LBB2_69-.Ltmp40, $2  }
0x161: {  	_ =	sdelay $0x2  }
0x162: {  	s25 =	sadd.s32 $0x400, s25;
	s26 =	sadd.s32 s26, s22  }
.Ltmp41:
0x163: {  	(pc) =	sbr.rel .LBB2_71-.Ltmp41, $2  }
0x164: {  	_ =	sdelay $0x2  }
0x165: {  	[hbm4b:s26+s4] =	stream.linear.scatter [tilespmem:s23], [sflag:$0x1], $0x80, $0x38;
	[tilespmem:$0x1D000] =	vst v63  }
.LBB2_72:
0x166: {  	s19 =	sadd.s32 s14, s19  }
0x167: {  	s20 =	sand.u32 $0x1, s19  }
0x168: {  	p0 =	slt.s32 s19, $0x1;
	p1 =	seq.s32 s20, $0x1  }
0x169: {  	s31 =	sshrl.u32 s19, $0x1F;
	p0 =	por !p0, !p1  }
0x16a: {  	s19 =	sadd.s32 s31, s19;
	s20 =	simm.s32 $0x1;
	p0 =	por !p0, !p0  }
0x16b: {  	s19 =	sshra.s32 s19, $0x1;
	s20 =	simm.s32 @!p0 $0x0  }
0x16c: {  	s19 =	ssub.s32 s19, s20  }
0x16d: {  	p0 =	slt.s32 s19, $0x1  }
.Ltmp42:
0x16e: {  	_ = 	snop;
	(pc) =	sbr.rel @p0 .LBB2_76-.Ltmp42, $1  }
0x16f: {  	_ =	sdelay $0x3  }
0x170: {  	p0 =	sne.s32 s19, $0x1  }
.Ltmp43:
0x171: {  	_ = 	snop;
	(pc) =	sbr.rel @!p0 .LBB2_75-.Ltmp43, $3  }
0x172: {  	_ =	sdelay $0x1  }
0x173: {  	_ =	swait.ge [sflag:s5], $0x3800  }
0x174: {  	s19 =	sadd.s32 $0xFFFFFFFF, s19;
	[sflag:s5] =	ssyncset.done $0x0  }
.LBB2_74:
0x175: {  	p0 =	sne.s32 s19, $0x1;
	s19 =	sadd.s32 $0xFFFFFFFF, s19;
	[sflag:s5] =	ssyncadd.s32 $0xFFFFC800  }
.Ltmp44:
0x176: {  	(pc) =	sbr.rel @p0 .LBB2_74-.Ltmp44, $3  }
0x177: {  	_ =	sdelay $0x1  }
0x178: {  	_ =	swait.ge [sflag:s5], $0x3800  }
0x179: {  	[sflag:s5] =	ssyncset.done $0x0  }
.Ltmp45:
0x17a: {  	_ = 	snop;
	(pc) =	sbr.rel .LBB2_75-.Ltmp45, $1  }
0x17b: {  	_ =	sdelay $0x3  }
.LBB2_77:
0x17c: {  	_ =	sfence.sel $0x180000  }
0x17d: {  	[bflag:$0x0] =	sbarrier.arrive $0xFFFF  }
0x17e: {  	p0 =	sne.s32 s0, $0x0;
	_ =	strace $0x90000047  }
0x17f: {  	s0 =	sadd.s32 @!p0 $0x100000, s1;
	[bflag:$0x2] =	sbarrier.arrive $0xFFFF  }
0x180: {  	[sflag:s0] =	ssyncadd.tile.s32 @!p0 $0x1;
	_ =	shalt  }
.Lfunc_end2:
_tile_overlayer_lowered:
.L_overlay_start_2:
0x181: {  	(tag) =	ssettag $0x2  }
0x182: {  	s0 =	rddreg [dreg:$0x0];
	s2 =	stileid.u32  }
0x183: {  	s1 =	rddreg [dreg:$0x1];
	p0 =	sne.s32 s2, $0x0  }
0x184: {  	s3 =	rddreg [dreg:$0x2];
	[bflag:$0x3] =	sbarrier.arrive $0xFFFF;
	s2 =	simm.s32 @!p0 $0x1C02  }
0x185: {  	[timem:s3], [sflag:s2] =	dma.local @!p0 [hbm:s0], s1  }
0x186: {  	s0 =	simm.s32 @!p0 $0x2  }
0x187: {  	_ =	swait.ge @!p0 [sflag:s0], s1  }
0x188: {  	s1 =	ssub.s32 @!p0 $0x0, s1;
	[sflag:s0] =	ssyncset.done @!p0 $0x0  }
0x189: {  	[sflag:s0] =	ssyncadd.s32 @!p0 s1  }
0x18a: {  	[bflag:$0x3] =	sbarrier.arrive $0xFFFF  }
0x18b: {  	_ =	shalt  }

</sc_bundles>
